<compile_context>
chip_gen: v7x
topology: tpu7x:2x2x1
jax: 0.10.2.dev20260603
libtpu: 0.0.44.dev20260713+nightly
codegen_flags: <defaults>
</compile_context>

<pallas_src>
import jax
import jax.numpy as jnp
from jax import lax
from jax.experimental import pallas as pl
from jax.experimental.pallas import tpu as pltpu
from jax.experimental.pallas import tpu_sc as plsc

def _gelu(x):
    return 0.5 * x * (1.0 + lax.erf(x * 0.7071067811865476))


_N = 10000
_D = 128
_NPAD = 10112
_NSUB = 16
_CHUNK = 120


def _spmm_call(table, idx_packed, n_chunks):
    rpt = _NPAD // _NSUB
    nt = n_chunks // 6
    n = n_chunks
    npairs = n // 2

    def body(table_hbm, idx_hbm, zero_hbm, out_hbm,
             i0, i1, i2, r0, r1, r2, acc_sh,
             is0, is1, is2, g0, g1, g2, s0, s1, s2):
        c = lax.axis_index("c")
        s = lax.axis_index("s")
        idx = (i0, i1, i2)
        rows = (r0, r1, r2)
        isem = (is0, is1, is2)
        gsem = (g0, g1, g2)
        ssem = (s0, s1, s2)
        pltpu.sync_copy(zero_hbm, acc_sh.at[pl.ds(s * rpt, rpt)])
        plsc.subcore_barrier()

        row0 = s * npairs

        def idx_load(p, up):
            pltpu.async_copy(idx_hbm.at[c, row0 + p], idx[up], isem[up])

        def idx_wait(p, up):
            pltpu.make_async_copy(idx_hbm.at[c, row0 + p], idx[up],
                                  isem[up]).wait()

        def gth(up, q, ur):
            pltpu.async_copy(table_hbm.at[idx[up].at[q, 0]], rows[ur],
                             gsem[ur])

        def gth_wait(up, q, ur):
            pltpu.make_async_copy(table_hbm.at[idx[up].at[q, 0]],
                                  rows[ur], gsem[ur]).wait()

        def scat(up, q, ur):
            pltpu.async_copy(rows[ur], acc_sh.at[idx[up].at[q, 1]],
                             ssem[ur], add=True)

        def scat_wait(up, q, ur):
            pltpu.make_async_copy(rows[ur], acc_sh.at[idx[up].at[q, 1]],
                                  ssem[ur]).wait()

        for p in range(3):
            idx_load(p, p)
        idx_wait(0, 0)
        gth(0, 0, 0)
        gth(0, 1, 1)

        def step(t, carry):
            for u in range(6):
                k = 6 * t + u
                up = (u // 2) % 3
                q = u % 2
                ur = u % 3
                gth_wait(up, q, ur)

                if q == 0:
                    @pl.when(k >= 1)
                    def _():
                        scat_wait((up + 2) % 3, 1, (ur + 2) % 3)

                    @pl.when(k + 2 < n)
                    def _():
                        idx_wait(k // 2 + 1, (up + 1) % 3)
                        gth((up + 1) % 3, 0, (ur + 2) % 3)

                    @pl.when(k + 4 < n)
                    def _():
                        idx_load(k // 2 + 2, (up + 2) % 3)
                else:
                    scat_wait(up, 0, (ur + 2) % 3)

                    @pl.when(k + 2 < n)
                    def _():
                        gth((up + 1) % 3, 1, (ur + 2) % 3)

                scat(up, q, ur)
            return carry

        lax.fori_loop(0, nt, step, 0)
        scat_wait((((n - 1) // 2) % 3), 1, (n - 1) % 3)
        plsc.subcore_barrier()
        pltpu.sync_copy(acc_sh.at[pl.ds(s * rpt, rpt)],
                        out_hbm.at[c, pl.ds(s * rpt, rpt)])

    mesh = plsc.VectorSubcoreMesh(core_axis_name="c", subcore_axis_name="s")
    f = pl.kernel(
        body,
        out_type=jax.ShapeDtypeStruct((2, _NPAD, _D), jnp.float32),
        mesh=mesh,
        scratch_types=[
            pltpu.VMEM((2, 2, _CHUNK), jnp.int32),
            pltpu.VMEM((2, 2, _CHUNK), jnp.int32),
            pltpu.VMEM((2, 2, _CHUNK), jnp.int32),
            pltpu.VMEM((_CHUNK, _D), jnp.float32),
            pltpu.VMEM((_CHUNK, _D), jnp.float32),
            pltpu.VMEM((_CHUNK, _D), jnp.float32),
            pltpu.VMEM_SHARED((_NPAD, _D), jnp.float32),
        ] + [pltpu.SemaphoreType.DMA] * 9,
    )
    zero = jnp.zeros((rpt, _D), jnp.float32)
    return f(table, idx_packed, zero)


def _tc_mm(x, w):
    m = x.shape[0]
    bm = 2000
    assert m % bm == 0

    def body(x_ref, w_ref, o_ref):
        o_ref[...] = jnp.dot(x_ref[...], w_ref[...],
                             preferred_element_type=jnp.float32)

    return pl.pallas_call(
        body,
        grid=(m // bm,),
        in_specs=[
            pl.BlockSpec((bm, _D), lambda i: (i, 0)),
            pl.BlockSpec((_D, _D), lambda i: (0, 0)),
        ],
        out_specs=pl.BlockSpec((bm, _D), lambda i: (i, 0)),
        out_shape=jax.ShapeDtypeStruct((m, _D), jnp.float32),
    )(x, w)


def _tc_mm2(s1, w, b):
    bm = _N // 10

    def body(x_ref, w_ref, b_ref, o_ref):
        xv = _gelu(x_ref[0] + b_ref[...])
        o_ref[...] = jnp.dot(xv, w_ref[...], preferred_element_type=jnp.float32)

    return pl.pallas_call(
        body,
        grid=(2, 10),
        in_specs=[
            pl.BlockSpec((1, bm, _D), lambda g, i: (g, i, 0)),
            pl.BlockSpec((_D, _D), lambda g, i: (0, 0)),
            pl.BlockSpec((1, _D), lambda g, i: (0, 0)),
        ],
        out_specs=pl.BlockSpec((bm, _D), lambda g, i: (10 * g + i, 0)),
        out_shape=jax.ShapeDtypeStruct((2 * _N, _D), jnp.float32),
    )(s1, w, b.reshape(1, _D))


def _tc_std(s2, b):

    def body(x_ref, b_ref, o_ref):
        x = x_ref[0] + b_ref[...]
        x = _gelu(x)
        mu = jnp.mean(x, axis=0, keepdims=True)
        xc = x - mu
        var = jnp.sum(xc * xc, axis=0, keepdims=True) / (_N - 1)
        o_ref[0] = xc * lax.rsqrt(var)

    return pl.pallas_call(
        body,
        grid=(2,),
        in_specs=[
            pl.BlockSpec((1, _N, _D), lambda g: (g, 0, 0)),
            pl.BlockSpec((1, _D), lambda g: (0, 0)),
        ],
        out_specs=pl.BlockSpec((1, _N, _D), lambda g: (g, 0, 0)),
        out_shape=jax.ShapeDtypeStruct((2, _N, _D), jnp.float32),
    )(s2, b.reshape(1, _D))


def kernel(X_a, edge_index_a, X_b, edge_index_b, W0, b0, W1, b1):
    e = edge_index_a.shape[1]
    n_chunks = 6 * (-(-e // (_NSUB * _CHUNK * 6)))
    ep = _NSUB * n_chunks * _CHUNK
    pad = ep - e
    pad_src = ((jnp.arange(pad, dtype=jnp.int32) * 97) % _N
               ).reshape(_NSUB, pad // _NSUB)
    pad_dst = (_N + (jnp.arange(pad, dtype=jnp.int32) % (_NPAD - _N))
               ).reshape(_NSUB, pad // _NSUB)

    def prep(ei, coff):
        src = jnp.concatenate([ei[0].reshape(_NSUB, e // _NSUB),
                               pad_src], axis=1) + coff
        dst = jnp.concatenate([ei[1].reshape(_NSUB, e // _NSUB),
                               pad_dst], axis=1)
        return jnp.stack([src.reshape(_NSUB * n_chunks // 2, 2, _CHUNK),
                          dst.reshape(_NSUB * n_chunks // 2, 2, _CHUNK)],
                         axis=2)

    idx = jnp.stack([prep(edge_index_a, 0), prep(edge_index_b, _N)])

    h = _tc_mm(jnp.concatenate([X_a, X_b], axis=0), W0)
    s1 = _spmm_call(h, idx, n_chunks)
    h2 = _tc_mm2(s1, W1, b0)
    s2 = _spmm_call(h2, idx, n_chunks)
    out = _tc_std(s2, b1)
    return (out[0], out[1])

# --- scband reference (transcript-rebuilt; emitter-appended) ---
"""Pipeline reference for scband-sugrl-fast-77017353552367 (READ-ONLY COPY).

The authoritative reference and input builder live on the scoring server;
editing this copy changes nothing except your own understanding.
"""

import jax, jax.numpy as jnp
import numpy as np

N = 10000
E = 320000
D = 128
CFG = [128, 128]


def _xavier_uniform(key, fan_in, fan_out):
    limit = float(np.sqrt(6.0 / (fan_in + fan_out)))
    return jax.random.uniform(key, (fan_in, fan_out), minval=-limit, maxval=limit, dtype=jnp.float32)


def setup_inputs(seed: int = 0) -> dict:
    key = jax.random.key(seed)
    ks = jax.random.split(key, 8)
    X_a = jax.random.normal(ks[0], (N, D), dtype=jnp.float32)
    X_b = jax.random.normal(ks[1], (N, D), dtype=jnp.float32)
    edge_index_a = jax.random.randint(ks[2], (2, E), 0, N, dtype=jnp.int32)
    edge_index_b = jax.random.randint(ks[3], (2, E), 0, N, dtype=jnp.int32)
    W0 = _xavier_uniform(ks[4], D, CFG[0])
    b0 = jnp.zeros((CFG[0],), dtype=jnp.float32)
    W1 = _xavier_uniform(ks[5], CFG[0], CFG[1])
    b1 = jnp.zeros((CFG[1],), dtype=jnp.float32)
    return {"X_a": X_a, "edge_index_a": edge_index_a, "X_b": X_b, "edge_index_b": edge_index_b,
            "W0": W0, "b0": b0, "W1": W1, "b1": b1}


def _graph_conv(x, edge_index, W, b):
    # GraphConv: h = Linear(x) (no bias); out = spmm(A, h) + bias
    h = x @ W
    src = edge_index[0]
    dst = edge_index[1]
    out = jax.ops.segment_sum(jnp.take(h, src, axis=0), dst, num_segments=N)
    return out + b


def _branch(x, edge_index, W0, b0, W1, b1):
    # dropout treated as identity (eval-mode deterministic reference)
    x = _graph_conv(x, edge_index, W0, b0)
    x = jax.nn.gelu(x, approximate=False)
    x = _graph_conv(x, edge_index, W1, b1)
    x = jax.nn.gelu(x, approximate=False)
    return x


def _standardize(e):
    return (e - e.mean(axis=0)) / jnp.std(e, axis=0, ddof=1)


def reference(X_a, edge_index_a, X_b, edge_index_b, W0, b0, W1, b1):
    ea = _branch(X_a, edge_index_a, W0, b0, W1, b1)
    eb = _branch(X_b, edge_index_b, W0, b0, W1, b1)
    ea = _standardize(ea)
    eb = _standardize(eb)
    return (ea, eb)

if __name__ == "__main__":
    import jax
    _d = setup_inputs()
    print(jax.jit(kernel)(*tuple(_d.values())))

</pallas_src>

<mosaic_0001>
#map = affine_map<(d0, d1) -> (0, 0)>
#map1 = affine_map<(d0, d1) -> (0, 0, 0, 0, 0)>
#map2 = affine_map<(d0, d1) -> (0, 0, 0)>
module attributes {stable_mosaic.version = 14 : i64} {
  func.func @body(%arg0: i32, %arg1: i32, %arg2: memref<20000x128xf32, #tpu.memory_space<hbm>>, %arg3: memref<2x1344x2x2x120xi32, #tpu.memory_space<hbm>>, %arg4: memref<632x128xf32, #tpu.memory_space<hbm>>, %arg5: memref<2x10112x128xf32, #tpu.memory_space<hbm>>, %arg6: memref<2x2x120xi32, #tpu.memory_space<vmem>>, %arg7: memref<2x2x120xi32, #tpu.memory_space<vmem>>, %arg8: memref<2x2x120xi32, #tpu.memory_space<vmem>>, %arg9: memref<120x128xf32, #tpu.memory_space<vmem>>, %arg10: memref<120x128xf32, #tpu.memory_space<vmem>>, %arg11: memref<120x128xf32, #tpu.memory_space<vmem>>, %arg12: memref<10112x128xf32, #tpu.memory_space<vmem_shared>>, %arg13: memref<!tpu.dma_semaphore, #tpu.memory_space<semaphore_mem>>, %arg14: memref<!tpu.dma_semaphore, #tpu.memory_space<semaphore_mem>>, %arg15: memref<!tpu.dma_semaphore, #tpu.memory_space<semaphore_mem>>, %arg16: memref<!tpu.dma_semaphore, #tpu.memory_space<semaphore_mem>>, %arg17: memref<!tpu.dma_semaphore, #tpu.memory_space<semaphore_mem>>, %arg18: memref<!tpu.dma_semaphore, #tpu.memory_space<semaphore_mem>>, %arg19: memref<!tpu.dma_semaphore, #tpu.memory_space<semaphore_mem>>, %arg20: memref<!tpu.dma_semaphore, #tpu.memory_space<semaphore_mem>>, %arg21: memref<!tpu.dma_semaphore, #tpu.memory_space<semaphore_mem>>) attributes {dimension_semantics = [#tpu.dimension_semantics<core_parallel>, #tpu.dimension_semantics<subcore_parallel>], iteration_bounds = array<i64: 2, 16>, scalar_prefetch = 0 : i64, scratch_operands = 16 : i64, tpu.core_type = #tpu.core_type<sc_vector_subcore>, window_params = [{transform_indices = #map}, {transform_indices = #map1}, {transform_indices = #map}, {transform_indices = #map2}]} {
    %mul3A = arith.constant 632 : i32
    %mul3A_0 = arith.muli %arg1, %mul3A : i32
    "tpu.region"() ({
      %run_scoped3A = tpu.sem_alloc : memref<!tpu.dma_semaphore, #tpu.memory_space<semaphore_mem>>
      %dma_start3A_82 = arith.constant 0 : i32
      %dma_start3A_83 = tpu.memref_slice %arg12[%mul3A_0, %dma_start3A_82] : memref<10112x128xf32, #tpu.memory_space<vmem_shared>> -> memref<632x128xf32, #tpu.memory_space<vmem_shared>>
      tpu.enqueue_dma source(%arg4 : memref<632x128xf32, #tpu.memory_space<hbm>>) target(%dma_start3A_83 : memref<632x128xf32, #tpu.memory_space<vmem_shared>>) target_semaphore(%run_scoped3A : memref<!tpu.dma_semaphore, #tpu.memory_space<semaphore_mem>>)
      %dma_wait3A_84 = arith.constant 0 : i32
      %dma_wait3A_85 = tpu.memref_slice %arg12[%mul3A_0, %dma_wait3A_84] : memref<10112x128xf32, #tpu.memory_space<vmem_shared>> -> memref<632x128xf32, #tpu.memory_space<vmem_shared>>
      tpu.wait_dma2 semaphore(%run_scoped3A : memref<!tpu.dma_semaphore, #tpu.memory_space<semaphore_mem>>) src(%arg4 : memref<632x128xf32, #tpu.memory_space<hbm>>) dst(%dma_wait3A_85 : memref<632x128xf32, #tpu.memory_space<vmem_shared>>)
      tpu.yield
    }) : () -> ()
    %barrier3A = arith.constant 0 : index
    tpu.barrier barrier_id(%barrier3A)
    %mul3A_1 = arith.constant 84 : i32
    %mul3A_2 = arith.muli %arg1, %mul3A_1 : i32
    %add3A = arith.constant 0 : i32
    %add3A_3 = arith.addi %mul3A_2, %add3A : i32
    %dma_start3A = arith.constant 0 : i32
    %dma_start3A_4 = arith.constant 0 : i32
    %dma_start3A_5 = arith.constant 0 : i32
    %dma_start3A_6 = tpu.memref_slice %arg3[%arg0, %add3A_3, %dma_start3A, %dma_start3A_4, %dma_start3A_5] : memref<2x1344x2x2x120xi32, #tpu.memory_space<hbm>> -> memref<1x1x2x2x120xi32, #tpu.memory_space<hbm>>
    %dma_start3A_7 = tpu.memref_squeeze %dma_start3A_6 : memref<1x1x2x2x120xi32, #tpu.memory_space<hbm>> -> memref<2x2x120xi32, #tpu.memory_space<hbm>>
    %dma_start3A_8 = arith.constant 0 : i32
    %dma_start3A_9 = arith.constant 0 : i32
    %dma_start3A_10 = arith.constant 0 : i32
    %dma_start3A_11 = tpu.memref_slice %arg3[%arg0, %add3A_3, %dma_start3A_8, %dma_start3A_9, %dma_start3A_10] : memref<2x1344x2x2x120xi32, #tpu.memory_space<hbm>> -> memref<1x1x2x2x120xi32, #tpu.memory_space<hbm>>
    %dma_start3A_12 = tpu.memref_squeeze %dma_start3A_11 : memref<1x1x2x2x120xi32, #tpu.memory_space<hbm>> -> memref<2x2x120xi32, #tpu.memory_space<hbm>>
    tpu.enqueue_dma source(%dma_start3A_12 : memref<2x2x120xi32, #tpu.memory_space<hbm>>) target(%arg6 : memref<2x2x120xi32, #tpu.memory_space<vmem>>) target_semaphore(%arg13 : memref<!tpu.dma_semaphore, #tpu.memory_space<semaphore_mem>>)
    %add3A_13 = arith.constant 1 : i32
    %add3A_14 = arith.addi %mul3A_2, %add3A_13 : i32
    %dma_start3A_15 = arith.constant 0 : i32
    %dma_start3A_16 = arith.constant 0 : i32
    %dma_start3A_17 = arith.constant 0 : i32
    %dma_start3A_18 = tpu.memref_slice %arg3[%arg0, %add3A_14, %dma_start3A_15, %dma_start3A_16, %dma_start3A_17] : memref<2x1344x2x2x120xi32, #tpu.memory_space<hbm>> -> memref<1x1x2x2x120xi32, #tpu.memory_space<hbm>>
    %dma_start3A_19 = tpu.memref_squeeze %dma_start3A_18 : memref<1x1x2x2x120xi32, #tpu.memory_space<hbm>> -> memref<2x2x120xi32, #tpu.memory_space<hbm>>
    %dma_start3A_20 = arith.constant 0 : i32
    %dma_start3A_21 = arith.constant 0 : i32
    %dma_start3A_22 = arith.constant 0 : i32
    %dma_start3A_23 = tpu.memref_slice %arg3[%arg0, %add3A_14, %dma_start3A_20, %dma_start3A_21, %dma_start3A_22] : memref<2x1344x2x2x120xi32, #tpu.memory_space<hbm>> -> memref<1x1x2x2x120xi32, #tpu.memory_space<hbm>>
    %dma_start3A_24 = tpu.memref_squeeze %dma_start3A_23 : memref<1x1x2x2x120xi32, #tpu.memory_space<hbm>> -> memref<2x2x120xi32, #tpu.memory_space<hbm>>
    tpu.enqueue_dma source(%dma_start3A_24 : memref<2x2x120xi32, #tpu.memory_space<hbm>>) target(%arg7 : memref<2x2x120xi32, #tpu.memory_space<vmem>>) target_semaphore(%arg14 : memref<!tpu.dma_semaphore, #tpu.memory_space<semaphore_mem>>)
    %add3A_25 = arith.constant 2 : i32
    %add3A_26 = arith.addi %mul3A_2, %add3A_25 : i32
    %dma_start3A_27 = arith.constant 0 : i32
    %dma_start3A_28 = arith.constant 0 : i32
    %dma_start3A_29 = arith.constant 0 : i32
    %dma_start3A_30 = tpu.memref_slice %arg3[%arg0, %add3A_26, %dma_start3A_27, %dma_start3A_28, %dma_start3A_29] : memref<2x1344x2x2x120xi32, #tpu.memory_space<hbm>> -> memref<1x1x2x2x120xi32, #tpu.memory_space<hbm>>
    %dma_start3A_31 = tpu.memref_squeeze %dma_start3A_30 : memref<1x1x2x2x120xi32, #tpu.memory_space<hbm>> -> memref<2x2x120xi32, #tpu.memory_space<hbm>>
    %dma_start3A_32 = arith.constant 0 : i32
    %dma_start3A_33 = arith.constant 0 : i32
    %dma_start3A_34 = arith.constant 0 : i32
    %dma_start3A_35 = tpu.memref_slice %arg3[%arg0, %add3A_26, %dma_start3A_32, %dma_start3A_33, %dma_start3A_34] : memref<2x1344x2x2x120xi32, #tpu.memory_space<hbm>> -> memref<1x1x2x2x120xi32, #tpu.memory_space<hbm>>
    %dma_start3A_36 = tpu.memref_squeeze %dma_start3A_35 : memref<1x1x2x2x120xi32, #tpu.memory_space<hbm>> -> memref<2x2x120xi32, #tpu.memory_space<hbm>>
    tpu.enqueue_dma source(%dma_start3A_36 : memref<2x2x120xi32, #tpu.memory_space<hbm>>) target(%arg8 : memref<2x2x120xi32, #tpu.memory_space<vmem>>) target_semaphore(%arg15 : memref<!tpu.dma_semaphore, #tpu.memory_space<semaphore_mem>>)
    %add3A_37 = arith.constant 0 : i32
    %add3A_38 = arith.addi %mul3A_2, %add3A_37 : i32
    %dma_wait3A = arith.constant 0 : i32
    %dma_wait3A_39 = arith.constant 0 : i32
    %dma_wait3A_40 = arith.constant 0 : i32
    %dma_wait3A_41 = tpu.memref_slice %arg3[%arg0, %add3A_38, %dma_wait3A, %dma_wait3A_39, %dma_wait3A_40] : memref<2x1344x2x2x120xi32, #tpu.memory_space<hbm>> -> memref<1x1x2x2x120xi32, #tpu.memory_space<hbm>>
    %dma_wait3A_42 = tpu.memref_squeeze %dma_wait3A_41 : memref<1x1x2x2x120xi32, #tpu.memory_space<hbm>> -> memref<2x2x120xi32, #tpu.memory_space<hbm>>
    %dma_wait3A_43 = arith.constant 0 : i32
    %dma_wait3A_44 = arith.constant 0 : i32
    %dma_wait3A_45 = arith.constant 0 : i32
    %dma_wait3A_46 = tpu.memref_slice %arg3[%arg0, %add3A_38, %dma_wait3A_43, %dma_wait3A_44, %dma_wait3A_45] : memref<2x1344x2x2x120xi32, #tpu.memory_space<hbm>> -> memref<1x1x2x2x120xi32, #tpu.memory_space<hbm>>
    %dma_wait3A_47 = tpu.memref_squeeze %dma_wait3A_46 : memref<1x1x2x2x120xi32, #tpu.memory_space<hbm>> -> memref<2x2x120xi32, #tpu.memory_space<hbm>>
    tpu.wait_dma2 semaphore(%arg13 : memref<!tpu.dma_semaphore, #tpu.memory_space<semaphore_mem>>) src(%dma_wait3A_47 : memref<2x2x120xi32, #tpu.memory_space<hbm>>) dst(%arg6 : memref<2x2x120xi32, #tpu.memory_space<vmem>>)
    %dma_start3A_48 = arith.constant 0 : i32
    %dma_start3A_49 = arith.constant 0 : i32
    %dma_start3A_50 = arith.constant 0 : i32
    %dma_start3A_51 = tpu.memref_slice %arg6[%dma_start3A_48, %dma_start3A_49, %dma_start3A_50] : memref<2x2x120xi32, #tpu.memory_space<vmem>> -> memref<1x1x120xi32, #tpu.memory_space<vmem>>
    %dma_start3A_52 = tpu.memref_squeeze %dma_start3A_51 : memref<1x1x120xi32, #tpu.memory_space<vmem>> -> memref<120xi32, #tpu.memory_space<vmem>>
    %dma_start3A_53 = arith.constant 0 : i32
    %dma_start3A_54 = arith.constant 0 : i32
    %dma_start3A_55 = tpu.memref_slice %arg2[%dma_start3A_53, %dma_start3A_54] : memref<20000x128xf32, #tpu.memory_space<hbm>> -> memref<20000x128xf32, #tpu.memory_space<hbm>>
    tpu.enqueue_indirect_dma source(%dma_start3A_55 : memref<20000x128xf32, #tpu.memory_space<hbm>>) target(%arg9 : memref<120x128xf32, #tpu.memory_space<vmem>>) offsets(%dma_start3A_52 : memref<120xi32, #tpu.memory_space<vmem>>) semaphore(%arg16 : memref<!tpu.dma_semaphore, #tpu.memory_space<semaphore_mem>>)
    %dma_start3A_56 = arith.constant 1 : i32
    %dma_start3A_57 = arith.constant 0 : i32
    %dma_start3A_58 = arith.constant 0 : i32
    %dma_start3A_59 = tpu.memref_slice %arg6[%dma_start3A_56, %dma_start3A_57, %dma_start3A_58] : memref<2x2x120xi32, #tpu.memory_space<vmem>> -> memref<1x1x120xi32, #tpu.memory_space<vmem>>
    %dma_start3A_60 = tpu.memref_squeeze %dma_start3A_59 : memref<1x1x120xi32, #tpu.memory_space<vmem>> -> memref<120xi32, #tpu.memory_space<vmem>>
    %dma_start3A_61 = arith.constant 0 : i32
    %dma_start3A_62 = arith.constant 0 : i32
    %dma_start3A_63 = tpu.memref_slice %arg2[%dma_start3A_61, %dma_start3A_62] : memref<20000x128xf32, #tpu.memory_space<hbm>> -> memref<20000x128xf32, #tpu.memory_space<hbm>>
    tpu.enqueue_indirect_dma source(%dma_start3A_63 : memref<20000x128xf32, #tpu.memory_space<hbm>>) target(%arg10 : memref<120x128xf32, #tpu.memory_space<vmem>>) offsets(%dma_start3A_60 : memref<120xi32, #tpu.memory_space<vmem>>) semaphore(%arg17 : memref<!tpu.dma_semaphore, #tpu.memory_space<semaphore_mem>>)
    %scan3A = arith.constant 0 : i32
    %scan3A_64 = arith.constant 0 : i32
    %scan3A_65 = arith.constant 28 : i32
    %scan3A_66 = arith.addi %scan3A_64, %scan3A_65 : i32
    %scan3A_67 = arith.constant 1 : i32
    scf.for %scan3A_82 = %scan3A_64 to %scan3A_66 step %scan3A_67  : i32 {
      %mul3A_83 = arith.constant 6 : i32
      %mul3A_84 = arith.muli %mul3A_83, %scan3A_82 : i32
      %add3A_85 = arith.constant 0 : i32
      %add3A_86 = arith.addi %mul3A_84, %add3A_85 : i32
      %dma_wait3A_87 = arith.constant 0 : i32
      %dma_wait3A_88 = arith.constant 0 : i32
      %dma_wait3A_89 = arith.constant 0 : i32
      %dma_wait3A_90 = tpu.memref_slice %arg6[%dma_wait3A_87, %dma_wait3A_88, %dma_wait3A_89] : memref<2x2x120xi32, #tpu.memory_space<vmem>> -> memref<1x1x120xi32, #tpu.memory_space<vmem>>
      %dma_wait3A_91 = tpu.memref_squeeze %dma_wait3A_90 : memref<1x1x120xi32, #tpu.memory_space<vmem>> -> memref<120xi32, #tpu.memory_space<vmem>>
      %dma_wait3A_92 = arith.constant 0 : i32
      %dma_wait3A_93 = arith.constant 0 : i32
      %dma_wait3A_94 = tpu.memref_slice %arg2[%dma_wait3A_92, %dma_wait3A_93] : memref<20000x128xf32, #tpu.memory_space<hbm>> -> memref<20000x128xf32, #tpu.memory_space<hbm>>
      tpu.wait_indirect_dma semaphore(%arg16 : memref<!tpu.dma_semaphore, #tpu.memory_space<semaphore_mem>>) src(%dma_wait3A_94 : memref<20000x128xf32, #tpu.memory_space<hbm>>) dst(%arg9 : memref<120x128xf32, #tpu.memory_space<vmem>>)
      %ge3A = arith.constant 1 : i32
      %ge3A_95 = arith.cmpi sge, %add3A_86, %ge3A : i32
      %convert_element_type3A = arith.extui %ge3A_95 : i1 to i32
      %cond3A = arith.constant 0 : i32
      %cond3A_96 = arith.cmpi ne, %convert_element_type3A, %cond3A : i32
      scf.if %cond3A_96 {
        %dma_wait3A_301 = arith.constant 1 : i32
        %dma_wait3A_302 = arith.constant 1 : i32
        %dma_wait3A_303 = arith.constant 0 : i32
        %dma_wait3A_304 = tpu.memref_slice %arg8[%dma_wait3A_301, %dma_wait3A_302, %dma_wait3A_303] : memref<2x2x120xi32, #tpu.memory_space<vmem>> -> memref<1x1x120xi32, #tpu.memory_space<vmem>>
        %dma_wait3A_305 = tpu.memref_squeeze %dma_wait3A_304 : memref<1x1x120xi32, #tpu.memory_space<vmem>> -> memref<120xi32, #tpu.memory_space<vmem>>
        %dma_wait3A_306 = arith.constant 0 : i32
        %dma_wait3A_307 = arith.constant 0 : i32
        %dma_wait3A_308 = tpu.memref_slice %arg12[%dma_wait3A_306, %dma_wait3A_307] : memref<10112x128xf32, #tpu.memory_space<vmem_shared>> -> memref<10112x128xf32, #tpu.memory_space<vmem_shared>>
        tpu.wait_indirect_dma semaphore(%arg21 : memref<!tpu.dma_semaphore, #tpu.memory_space<semaphore_mem>>) src(%arg11 : memref<120x128xf32, #tpu.memory_space<vmem>>) dst(%dma_wait3A_308 : memref<10112x128xf32, #tpu.memory_space<vmem_shared>>)
      } else {
      }
      %add3A_97 = arith.constant 2 : i32
      %add3A_98 = arith.addi %add3A_86, %add3A_97 : i32
      %lt3A = arith.constant 168 : i32
      %lt3A_99 = arith.cmpi slt, %add3A_98, %lt3A : i32
      %convert_element_type3A_100 = arith.extui %lt3A_99 : i1 to i32
      %cond3A_101 = arith.constant 0 : i32
      %cond3A_102 = arith.cmpi ne, %convert_element_type3A_100, %cond3A_101 : i32
      scf.if %cond3A_102 {
        %jit3A = arith.constant 2 : i32
        %div3A = arith.divsi %add3A_86, %jit3A : i32
        %sign3A = arith.constant 0 : i32
        %sign3A_301 = arith.cmpi sgt, %add3A_86, %sign3A : i32
        %sign3A_302 = arith.extui %sign3A_301 : i1 to i32
        %sign3A_303 = arith.constant 0 : i32
        %sign3A_304 = arith.cmpi slt, %add3A_86, %sign3A_303 : i32
        %sign3A_305 = arith.extui %sign3A_304 : i1 to i32
        %sign3A_306 = arith.subi %sign3A_302, %sign3A_305 : i32
        %sign3A_307 = arith.constant 0 : i32
        %sign3A_308 = arith.cmpi sgt, %jit3A, %sign3A_307 : i32
        %sign3A_309 = arith.extui %sign3A_308 : i1 to i32
        %sign3A_310 = arith.constant 0 : i32
        %sign3A_311 = arith.cmpi slt, %jit3A, %sign3A_310 : i32
        %sign3A_312 = arith.extui %sign3A_311 : i1 to i32
        %sign3A_313 = arith.subi %sign3A_309, %sign3A_312 : i32
        %ne3A = arith.cmpi ne, %sign3A_306, %sign3A_313 : i32
        %rem3A = arith.remsi %add3A_86, %jit3A : i32
        %ne3A_314 = arith.constant 0 : i32
        %ne3A_315 = arith.cmpi ne, %rem3A, %ne3A_314 : i32
        %and3A = arith.andi %ne3A, %ne3A_315 : i1
        %sub3A = arith.constant 1 : i32
        %sub3A_316 = arith.subi %div3A, %sub3A : i32
        %select_n3A = arith.select %and3A, %sub3A_316, %div3A : i32
        %add3A_317 = arith.constant 1 : i32
        %add3A_318 = arith.addi %select_n3A, %add3A_317 : i32
        %add3A_319 = arith.addi %mul3A_2, %add3A_318 : i32
        %dma_wait3A_320 = arith.constant 0 : i32
        %dma_wait3A_321 = arith.constant 0 : i32
        %dma_wait3A_322 = arith.constant 0 : i32
        %dma_wait3A_323 = tpu.memref_slice %arg3[%arg0, %add3A_319, %dma_wait3A_320, %dma_wait3A_321, %dma_wait3A_322] : memref<2x1344x2x2x120xi32, #tpu.memory_space<hbm>> -> memref<1x1x2x2x120xi32, #tpu.memory_space<hbm>>
        %dma_wait3A_324 = tpu.memref_squeeze %dma_wait3A_323 : memref<1x1x2x2x120xi32, #tpu.memory_space<hbm>> -> memref<2x2x120xi32, #tpu.memory_space<hbm>>
        %dma_wait3A_325 = arith.constant 0 : i32
        %dma_wait3A_326 = arith.constant 0 : i32
        %dma_wait3A_327 = arith.constant 0 : i32
        %dma_wait3A_328 = tpu.memref_slice %arg3[%arg0, %add3A_319, %dma_wait3A_325, %dma_wait3A_326, %dma_wait3A_327] : memref<2x1344x2x2x120xi32, #tpu.memory_space<hbm>> -> memref<1x1x2x2x120xi32, #tpu.memory_space<hbm>>
        %dma_wait3A_329 = tpu.memref_squeeze %dma_wait3A_328 : memref<1x1x2x2x120xi32, #tpu.memory_space<hbm>> -> memref<2x2x120xi32, #tpu.memory_space<hbm>>
        tpu.wait_dma2 semaphore(%arg14 : memref<!tpu.dma_semaphore, #tpu.memory_space<semaphore_mem>>) src(%dma_wait3A_329 : memref<2x2x120xi32, #tpu.memory_space<hbm>>) dst(%arg7 : memref<2x2x120xi32, #tpu.memory_space<vmem>>)
        %dma_start3A_330 = arith.constant 0 : i32
        %dma_start3A_331 = arith.constant 0 : i32
        %dma_start3A_332 = arith.constant 0 : i32
        %dma_start3A_333 = tpu.memref_slice %arg7[%dma_start3A_330, %dma_start3A_331, %dma_start3A_332] : memref<2x2x120xi32, #tpu.memory_space<vmem>> -> memref<1x1x120xi32, #tpu.memory_space<vmem>>
        %dma_start3A_334 = tpu.memref_squeeze %dma_start3A_333 : memref<1x1x120xi32, #tpu.memory_space<vmem>> -> memref<120xi32, #tpu.memory_space<vmem>>
        %dma_start3A_335 = arith.constant 0 : i32
        %dma_start3A_336 = arith.constant 0 : i32
        %dma_start3A_337 = tpu.memref_slice %arg2[%dma_start3A_335, %dma_start3A_336] : memref<20000x128xf32, #tpu.memory_space<hbm>> -> memref<20000x128xf32, #tpu.memory_space<hbm>>
        tpu.enqueue_indirect_dma source(%dma_start3A_337 : memref<20000x128xf32, #tpu.memory_space<hbm>>) target(%arg11 : memref<120x128xf32, #tpu.memory_space<vmem>>) offsets(%dma_start3A_334 : memref<120xi32, #tpu.memory_space<vmem>>) semaphore(%arg18 : memref<!tpu.dma_semaphore, #tpu.memory_space<semaphore_mem>>)
      } else {
      }
      %add3A_103 = arith.constant 4 : i32
      %add3A_104 = arith.addi %add3A_86, %add3A_103 : i32
      %lt3A_105 = arith.constant 168 : i32
      %lt3A_106 = arith.cmpi slt, %add3A_104, %lt3A_105 : i32
      %convert_element_type3A_107 = arith.extui %lt3A_106 : i1 to i32
      %cond3A_108 = arith.constant 0 : i32
      %cond3A_109 = arith.cmpi ne, %convert_element_type3A_107, %cond3A_108 : i32
      scf.if %cond3A_109 {
        %jit3A = arith.constant 2 : i32
        %div3A = arith.divsi %add3A_86, %jit3A : i32
        %sign3A = arith.constant 0 : i32
        %sign3A_301 = arith.cmpi sgt, %add3A_86, %sign3A : i32
        %sign3A_302 = arith.extui %sign3A_301 : i1 to i32
        %sign3A_303 = arith.constant 0 : i32
        %sign3A_304 = arith.cmpi slt, %add3A_86, %sign3A_303 : i32
        %sign3A_305 = arith.extui %sign3A_304 : i1 to i32
        %sign3A_306 = arith.subi %sign3A_302, %sign3A_305 : i32
        %sign3A_307 = arith.constant 0 : i32
        %sign3A_308 = arith.cmpi sgt, %jit3A, %sign3A_307 : i32
        %sign3A_309 = arith.extui %sign3A_308 : i1 to i32
        %sign3A_310 = arith.constant 0 : i32
        %sign3A_311 = arith.cmpi slt, %jit3A, %sign3A_310 : i32
        %sign3A_312 = arith.extui %sign3A_311 : i1 to i32
        %sign3A_313 = arith.subi %sign3A_309, %sign3A_312 : i32
        %ne3A = arith.cmpi ne, %sign3A_306, %sign3A_313 : i32
        %rem3A = arith.remsi %add3A_86, %jit3A : i32
        %ne3A_314 = arith.constant 0 : i32
        %ne3A_315 = arith.cmpi ne, %rem3A, %ne3A_314 : i32
        %and3A = arith.andi %ne3A, %ne3A_315 : i1
        %sub3A = arith.constant 1 : i32
        %sub3A_316 = arith.subi %div3A, %sub3A : i32
        %select_n3A = arith.select %and3A, %sub3A_316, %div3A : i32
        %add3A_317 = arith.constant 2 : i32
        %add3A_318 = arith.addi %select_n3A, %add3A_317 : i32
        %add3A_319 = arith.addi %mul3A_2, %add3A_318 : i32
        %dma_start3A_320 = arith.constant 0 : i32
        %dma_start3A_321 = arith.constant 0 : i32
        %dma_start3A_322 = arith.constant 0 : i32
        %dma_start3A_323 = tpu.memref_slice %arg3[%arg0, %add3A_319, %dma_start3A_320, %dma_start3A_321, %dma_start3A_322] : memref<2x1344x2x2x120xi32, #tpu.memory_space<hbm>> -> memref<1x1x2x2x120xi32, #tpu.memory_space<hbm>>
        %dma_start3A_324 = tpu.memref_squeeze %dma_start3A_323 : memref<1x1x2x2x120xi32, #tpu.memory_space<hbm>> -> memref<2x2x120xi32, #tpu.memory_space<hbm>>
        %dma_start3A_325 = arith.constant 0 : i32
        %dma_start3A_326 = arith.constant 0 : i32
        %dma_start3A_327 = arith.constant 0 : i32
        %dma_start3A_328 = tpu.memref_slice %arg3[%arg0, %add3A_319, %dma_start3A_325, %dma_start3A_326, %dma_start3A_327] : memref<2x1344x2x2x120xi32, #tpu.memory_space<hbm>> -> memref<1x1x2x2x120xi32, #tpu.memory_space<hbm>>
        %dma_start3A_329 = tpu.memref_squeeze %dma_start3A_328 : memref<1x1x2x2x120xi32, #tpu.memory_space<hbm>> -> memref<2x2x120xi32, #tpu.memory_space<hbm>>
        tpu.enqueue_dma source(%dma_start3A_329 : memref<2x2x120xi32, #tpu.memory_space<hbm>>) target(%arg8 : memref<2x2x120xi32, #tpu.memory_space<vmem>>) target_semaphore(%arg15 : memref<!tpu.dma_semaphore, #tpu.memory_space<semaphore_mem>>)
      } else {
      }
      %dma_start3A_110 = arith.constant 0 : i32
      %dma_start3A_111 = arith.constant 1 : i32
      %dma_start3A_112 = arith.constant 0 : i32
      %dma_start3A_113 = tpu.memref_slice %arg6[%dma_start3A_110, %dma_start3A_111, %dma_start3A_112] : memref<2x2x120xi32, #tpu.memory_space<vmem>> -> memref<1x1x120xi32, #tpu.memory_space<vmem>>
      %dma_start3A_114 = tpu.memref_squeeze %dma_start3A_113 : memref<1x1x120xi32, #tpu.memory_space<vmem>> -> memref<120xi32, #tpu.memory_space<vmem>>
      %dma_start3A_115 = arith.constant 0 : i32
      %dma_start3A_116 = arith.constant 0 : i32
      %dma_start3A_117 = tpu.memref_slice %arg12[%dma_start3A_115, %dma_start3A_116] : memref<10112x128xf32, #tpu.memory_space<vmem_shared>> -> memref<10112x128xf32, #tpu.memory_space<vmem_shared>>
      tpu.enqueue_indirect_dma source(%arg9 : memref<120x128xf32, #tpu.memory_space<vmem>>) target(%dma_start3A_117 : memref<10112x128xf32, #tpu.memory_space<vmem_shared>>) offsets(%dma_start3A_114 : memref<120xi32, #tpu.memory_space<vmem>>) semaphore(%arg19 : memref<!tpu.dma_semaphore, #tpu.memory_space<semaphore_mem>>) {add = true}
      %mul3A_118 = arith.constant 6 : i32
      %mul3A_119 = arith.muli %mul3A_118, %scan3A_82 : i32
      %add3A_120 = arith.constant 1 : i32
      %add3A_121 = arith.addi %mul3A_119, %add3A_120 : i32
      %dma_wait3A_122 = arith.constant 1 : i32
      %dma_wait3A_123 = arith.constant 0 : i32
      %dma_wait3A_124 = arith.constant 0 : i32
      %dma_wait3A_125 = tpu.memref_slice %arg6[%dma_wait3A_122, %dma_wait3A_123, %dma_wait3A_124] : memref<2x2x120xi32, #tpu.memory_space<vmem>> -> memref<1x1x120xi32, #tpu.memory_space<vmem>>
      %dma_wait3A_126 = tpu.memref_squeeze %dma_wait3A_125 : memref<1x1x120xi32, #tpu.memory_space<vmem>> -> memref<120xi32, #tpu.memory_space<vmem>>
      %dma_wait3A_127 = arith.constant 0 : i32
      %dma_wait3A_128 = arith.constant 0 : i32
      %dma_wait3A_129 = tpu.memref_slice %arg2[%dma_wait3A_127, %dma_wait3A_128] : memref<20000x128xf32, #tpu.memory_space<hbm>> -> memref<20000x128xf32, #tpu.memory_space<hbm>>
      tpu.wait_indirect_dma semaphore(%arg17 : memref<!tpu.dma_semaphore, #tpu.memory_space<semaphore_mem>>) src(%dma_wait3A_129 : memref<20000x128xf32, #tpu.memory_space<hbm>>) dst(%arg10 : memref<120x128xf32, #tpu.memory_space<vmem>>)
      %dma_wait3A_130 = arith.constant 0 : i32
      %dma_wait3A_131 = arith.constant 1 : i32
      %dma_wait3A_132 = arith.constant 0 : i32
      %dma_wait3A_133 = tpu.memref_slice %arg6[%dma_wait3A_130, %dma_wait3A_131, %dma_wait3A_132] : memref<2x2x120xi32, #tpu.memory_space<vmem>> -> memref<1x1x120xi32, #tpu.memory_space<vmem>>
      %dma_wait3A_134 = tpu.memref_squeeze %dma_wait3A_133 : memref<1x1x120xi32, #tpu.memory_space<vmem>> -> memref<120xi32, #tpu.memory_space<vmem>>
      %dma_wait3A_135 = arith.constant 0 : i32
      %dma_wait3A_136 = arith.constant 0 : i32
      %dma_wait3A_137 = tpu.memref_slice %arg12[%dma_wait3A_135, %dma_wait3A_136] : memref<10112x128xf32, #tpu.memory_space<vmem_shared>> -> memref<10112x128xf32, #tpu.memory_space<vmem_shared>>
      tpu.wait_indirect_dma semaphore(%arg19 : memref<!tpu.dma_semaphore, #tpu.memory_space<semaphore_mem>>) src(%arg9 : memref<120x128xf32, #tpu.memory_space<vmem>>) dst(%dma_wait3A_137 : memref<10112x128xf32, #tpu.memory_space<vmem_shared>>)
      %add3A_138 = arith.constant 2 : i32
      %add3A_139 = arith.addi %add3A_121, %add3A_138 : i32
      %lt3A_140 = arith.constant 168 : i32
      %lt3A_141 = arith.cmpi slt, %add3A_139, %lt3A_140 : i32
      %convert_element_type3A_142 = arith.extui %lt3A_141 : i1 to i32
      %cond3A_143 = arith.constant 0 : i32
      %cond3A_144 = arith.cmpi ne, %convert_element_type3A_142, %cond3A_143 : i32
      scf.if %cond3A_144 {
        %dma_start3A_301 = arith.constant 1 : i32
        %dma_start3A_302 = arith.constant 0 : i32
        %dma_start3A_303 = arith.constant 0 : i32
        %dma_start3A_304 = tpu.memref_slice %arg7[%dma_start3A_301, %dma_start3A_302, %dma_start3A_303] : memref<2x2x120xi32, #tpu.memory_space<vmem>> -> memref<1x1x120xi32, #tpu.memory_space<vmem>>
        %dma_start3A_305 = tpu.memref_squeeze %dma_start3A_304 : memref<1x1x120xi32, #tpu.memory_space<vmem>> -> memref<120xi32, #tpu.memory_space<vmem>>
        %dma_start3A_306 = arith.constant 0 : i32
        %dma_start3A_307 = arith.constant 0 : i32
        %dma_start3A_308 = tpu.memref_slice %arg2[%dma_start3A_306, %dma_start3A_307] : memref<20000x128xf32, #tpu.memory_space<hbm>> -> memref<20000x128xf32, #tpu.memory_space<hbm>>
        tpu.enqueue_indirect_dma source(%dma_start3A_308 : memref<20000x128xf32, #tpu.memory_space<hbm>>) target(%arg9 : memref<120x128xf32, #tpu.memory_space<vmem>>) offsets(%dma_start3A_305 : memref<120xi32, #tpu.memory_space<vmem>>) semaphore(%arg16 : memref<!tpu.dma_semaphore, #tpu.memory_space<semaphore_mem>>)
      } else {
      }
      %dma_start3A_145 = arith.constant 1 : i32
      %dma_start3A_146 = arith.constant 1 : i32
      %dma_start3A_147 = arith.constant 0 : i32
      %dma_start3A_148 = tpu.memref_slice %arg6[%dma_start3A_145, %dma_start3A_146, %dma_start3A_147] : memref<2x2x120xi32, #tpu.memory_space<vmem>> -> memref<1x1x120xi32, #tpu.memory_space<vmem>>
      %dma_start3A_149 = tpu.memref_squeeze %dma_start3A_148 : memref<1x1x120xi32, #tpu.memory_space<vmem>> -> memref<120xi32, #tpu.memory_space<vmem>>
      %dma_start3A_150 = arith.constant 0 : i32
      %dma_start3A_151 = arith.constant 0 : i32
      %dma_start3A_152 = tpu.memref_slice %arg12[%dma_start3A_150, %dma_start3A_151] : memref<10112x128xf32, #tpu.memory_space<vmem_shared>> -> memref<10112x128xf32, #tpu.memory_space<vmem_shared>>
      tpu.enqueue_indirect_dma source(%arg10 : memref<120x128xf32, #tpu.memory_space<vmem>>) target(%dma_start3A_152 : memref<10112x128xf32, #tpu.memory_space<vmem_shared>>) offsets(%dma_start3A_149 : memref<120xi32, #tpu.memory_space<vmem>>) semaphore(%arg20 : memref<!tpu.dma_semaphore, #tpu.memory_space<semaphore_mem>>) {add = true}
      %mul3A_153 = arith.constant 6 : i32
      %mul3A_154 = arith.muli %mul3A_153, %scan3A_82 : i32
      %add3A_155 = arith.constant 2 : i32
      %add3A_156 = arith.addi %mul3A_154, %add3A_155 : i32
      %dma_wait3A_157 = arith.constant 0 : i32
      %dma_wait3A_158 = arith.constant 0 : i32
      %dma_wait3A_159 = arith.constant 0 : i32
      %dma_wait3A_160 = tpu.memref_slice %arg7[%dma_wait3A_157, %dma_wait3A_158, %dma_wait3A_159] : memref<2x2x120xi32, #tpu.memory_space<vmem>> -> memref<1x1x120xi32, #tpu.memory_space<vmem>>
      %dma_wait3A_161 = tpu.memref_squeeze %dma_wait3A_160 : memref<1x1x120xi32, #tpu.memory_space<vmem>> -> memref<120xi32, #tpu.memory_space<vmem>>
      %dma_wait3A_162 = arith.constant 0 : i32
      %dma_wait3A_163 = arith.constant 0 : i32
      %dma_wait3A_164 = tpu.memref_slice %arg2[%dma_wait3A_162, %dma_wait3A_163] : memref<20000x128xf32, #tpu.memory_space<hbm>> -> memref<20000x128xf32, #tpu.memory_space<hbm>>
      tpu.wait_indirect_dma semaphore(%arg18 : memref<!tpu.dma_semaphore, #tpu.memory_space<semaphore_mem>>) src(%dma_wait3A_164 : memref<20000x128xf32, #tpu.memory_space<hbm>>) dst(%arg11 : memref<120x128xf32, #tpu.memory_space<vmem>>)
      %ge3A_165 = arith.constant 1 : i32
      %ge3A_166 = arith.cmpi sge, %add3A_156, %ge3A_165 : i32
      %convert_element_type3A_167 = arith.extui %ge3A_166 : i1 to i32
      %cond3A_168 = arith.constant 0 : i32
      %cond3A_169 = arith.cmpi ne, %convert_element_type3A_167, %cond3A_168 : i32
      scf.if %cond3A_169 {
        %dma_wait3A_301 = arith.constant 1 : i32
        %dma_wait3A_302 = arith.constant 1 : i32
        %dma_wait3A_303 = arith.constant 0 : i32
        %dma_wait3A_304 = tpu.memref_slice %arg6[%dma_wait3A_301, %dma_wait3A_302, %dma_wait3A_303] : memref<2x2x120xi32, #tpu.memory_space<vmem>> -> memref<1x1x120xi32, #tpu.memory_space<vmem>>
        %dma_wait3A_305 = tpu.memref_squeeze %dma_wait3A_304 : memref<1x1x120xi32, #tpu.memory_space<vmem>> -> memref<120xi32, #tpu.memory_space<vmem>>
        %dma_wait3A_306 = arith.constant 0 : i32
        %dma_wait3A_307 = arith.constant 0 : i32
        %dma_wait3A_308 = tpu.memref_slice %arg12[%dma_wait3A_306, %dma_wait3A_307] : memref<10112x128xf32, #tpu.memory_space<vmem_shared>> -> memref<10112x128xf32, #tpu.memory_space<vmem_shared>>
        tpu.wait_indirect_dma semaphore(%arg20 : memref<!tpu.dma_semaphore, #tpu.memory_space<semaphore_mem>>) src(%arg10 : memref<120x128xf32, #tpu.memory_space<vmem>>) dst(%dma_wait3A_308 : memref<10112x128xf32, #tpu.memory_space<vmem_shared>>)
      } else {
      }
      %add3A_170 = arith.constant 2 : i32
      %add3A_171 = arith.addi %add3A_156, %add3A_170 : i32
      %lt3A_172 = arith.constant 168 : i32
      %lt3A_173 = arith.cmpi slt, %add3A_171, %lt3A_172 : i32
      %convert_element_type3A_174 = arith.extui %lt3A_173 : i1 to i32
      %cond3A_175 = arith.constant 0 : i32
      %cond3A_176 = arith.cmpi ne, %convert_element_type3A_174, %cond3A_175 : i32
      scf.if %cond3A_176 {
        %jit3A = arith.constant 2 : i32
        %div3A = arith.divsi %add3A_156, %jit3A : i32
        %sign3A = arith.constant 0 : i32
        %sign3A_301 = arith.cmpi sgt, %add3A_156, %sign3A : i32
        %sign3A_302 = arith.extui %sign3A_301 : i1 to i32
        %sign3A_303 = arith.constant 0 : i32
        %sign3A_304 = arith.cmpi slt, %add3A_156, %sign3A_303 : i32
        %sign3A_305 = arith.extui %sign3A_304 : i1 to i32
        %sign3A_306 = arith.subi %sign3A_302, %sign3A_305 : i32
        %sign3A_307 = arith.constant 0 : i32
        %sign3A_308 = arith.cmpi sgt, %jit3A, %sign3A_307 : i32
        %sign3A_309 = arith.extui %sign3A_308 : i1 to i32
        %sign3A_310 = arith.constant 0 : i32
        %sign3A_311 = arith.cmpi slt, %jit3A, %sign3A_310 : i32
        %sign3A_312 = arith.extui %sign3A_311 : i1 to i32
        %sign3A_313 = arith.subi %sign3A_309, %sign3A_312 : i32
        %ne3A = arith.cmpi ne, %sign3A_306, %sign3A_313 : i32
        %rem3A = arith.remsi %add3A_156, %jit3A : i32
        %ne3A_314 = arith.constant 0 : i32
        %ne3A_315 = arith.cmpi ne, %rem3A, %ne3A_314 : i32
        %and3A = arith.andi %ne3A, %ne3A_315 : i1
        %sub3A = arith.constant 1 : i32
        %sub3A_316 = arith.subi %div3A, %sub3A : i32
        %select_n3A = arith.select %and3A, %sub3A_316, %div3A : i32
        %add3A_317 = arith.constant 1 : i32
        %add3A_318 = arith.addi %select_n3A, %add3A_317 : i32
        %add3A_319 = arith.addi %mul3A_2, %add3A_318 : i32
        %dma_wait3A_320 = arith.constant 0 : i32
        %dma_wait3A_321 = arith.constant 0 : i32
        %dma_wait3A_322 = arith.constant 0 : i32
        %dma_wait3A_323 = tpu.memref_slice %arg3[%arg0, %add3A_319, %dma_wait3A_320, %dma_wait3A_321, %dma_wait3A_322] : memref<2x1344x2x2x120xi32, #tpu.memory_space<hbm>> -> memref<1x1x2x2x120xi32, #tpu.memory_space<hbm>>
        %dma_wait3A_324 = tpu.memref_squeeze %dma_wait3A_323 : memref<1x1x2x2x120xi32, #tpu.memory_space<hbm>> -> memref<2x2x120xi32, #tpu.memory_space<hbm>>
        %dma_wait3A_325 = arith.constant 0 : i32
        %dma_wait3A_326 = arith.constant 0 : i32
        %dma_wait3A_327 = arith.constant 0 : i32
        %dma_wait3A_328 = tpu.memref_slice %arg3[%arg0, %add3A_319, %dma_wait3A_325, %dma_wait3A_326, %dma_wait3A_327] : memref<2x1344x2x2x120xi32, #tpu.memory_space<hbm>> -> memref<1x1x2x2x120xi32, #tpu.memory_space<hbm>>
        %dma_wait3A_329 = tpu.memref_squeeze %dma_wait3A_328 : memref<1x1x2x2x120xi32, #tpu.memory_space<hbm>> -> memref<2x2x120xi32, #tpu.memory_space<hbm>>
        tpu.wait_dma2 semaphore(%arg15 : memref<!tpu.dma_semaphore, #tpu.memory_space<semaphore_mem>>) src(%dma_wait3A_329 : memref<2x2x120xi32, #tpu.memory_space<hbm>>) dst(%arg8 : memref<2x2x120xi32, #tpu.memory_space<vmem>>)
        %dma_start3A_330 = arith.constant 0 : i32
        %dma_start3A_331 = arith.constant 0 : i32
        %dma_start3A_332 = arith.constant 0 : i32
        %dma_start3A_333 = tpu.memref_slice %arg8[%dma_start3A_330, %dma_start3A_331, %dma_start3A_332] : memref<2x2x120xi32, #tpu.memory_space<vmem>> -> memref<1x1x120xi32, #tpu.memory_space<vmem>>
        %dma_start3A_334 = tpu.memref_squeeze %dma_start3A_333 : memref<1x1x120xi32, #tpu.memory_space<vmem>> -> memref<120xi32, #tpu.memory_space<vmem>>
        %dma_start3A_335 = arith.constant 0 : i32
        %dma_start3A_336 = arith.constant 0 : i32
        %dma_start3A_337 = tpu.memref_slice %arg2[%dma_start3A_335, %dma_start3A_336] : memref<20000x128xf32, #tpu.memory_space<hbm>> -> memref<20000x128xf32, #tpu.memory_space<hbm>>
        tpu.enqueue_indirect_dma source(%dma_start3A_337 : memref<20000x128xf32, #tpu.memory_space<hbm>>) target(%arg10 : memref<120x128xf32, #tpu.memory_space<vmem>>) offsets(%dma_start3A_334 : memref<120xi32, #tpu.memory_space<vmem>>) semaphore(%arg17 : memref<!tpu.dma_semaphore, #tpu.memory_space<semaphore_mem>>)
      } else {
      }
      %add3A_177 = arith.constant 4 : i32
      %add3A_178 = arith.addi %add3A_156, %add3A_177 : i32
      %lt3A_179 = arith.constant 168 : i32
      %lt3A_180 = arith.cmpi slt, %add3A_178, %lt3A_179 : i32
      %convert_element_type3A_181 = arith.extui %lt3A_180 : i1 to i32
      %cond3A_182 = arith.constant 0 : i32
      %cond3A_183 = arith.cmpi ne, %convert_element_type3A_181, %cond3A_182 : i32
      scf.if %cond3A_183 {
        %jit3A = arith.constant 2 : i32
        %div3A = arith.divsi %add3A_156, %jit3A : i32
        %sign3A = arith.constant 0 : i32
        %sign3A_301 = arith.cmpi sgt, %add3A_156, %sign3A : i32
        %sign3A_302 = arith.extui %sign3A_301 : i1 to i32
        %sign3A_303 = arith.constant 0 : i32
        %sign3A_304 = arith.cmpi slt, %add3A_156, %sign3A_303 : i32
        %sign3A_305 = arith.extui %sign3A_304 : i1 to i32
        %sign3A_306 = arith.subi %sign3A_302, %sign3A_305 : i32
        %sign3A_307 = arith.constant 0 : i32
        %sign3A_308 = arith.cmpi sgt, %jit3A, %sign3A_307 : i32
        %sign3A_309 = arith.extui %sign3A_308 : i1 to i32
        %sign3A_310 = arith.constant 0 : i32
        %sign3A_311 = arith.cmpi slt, %jit3A, %sign3A_310 : i32
        %sign3A_312 = arith.extui %sign3A_311 : i1 to i32
        %sign3A_313 = arith.subi %sign3A_309, %sign3A_312 : i32
        %ne3A = arith.cmpi ne, %sign3A_306, %sign3A_313 : i32
        %rem3A = arith.remsi %add3A_156, %jit3A : i32
        %ne3A_314 = arith.constant 0 : i32
        %ne3A_315 = arith.cmpi ne, %rem3A, %ne3A_314 : i32
        %and3A = arith.andi %ne3A, %ne3A_315 : i1
        %sub3A = arith.constant 1 : i32
        %sub3A_316 = arith.subi %div3A, %sub3A : i32
        %select_n3A = arith.select %and3A, %sub3A_316, %div3A : i32
        %add3A_317 = arith.constant 2 : i32
        %add3A_318 = arith.addi %select_n3A, %add3A_317 : i32
        %add3A_319 = arith.addi %mul3A_2, %add3A_318 : i32
        %dma_start3A_320 = arith.constant 0 : i32
        %dma_start3A_321 = arith.constant 0 : i32
        %dma_start3A_322 = arith.constant 0 : i32
        %dma_start3A_323 = tpu.memref_slice %arg3[%arg0, %add3A_319, %dma_start3A_320, %dma_start3A_321, %dma_start3A_322] : memref<2x1344x2x2x120xi32, #tpu.memory_space<hbm>> -> memref<1x1x2x2x120xi32, #tpu.memory_space<hbm>>
        %dma_start3A_324 = tpu.memref_squeeze %dma_start3A_323 : memref<1x1x2x2x120xi32, #tpu.memory_space<hbm>> -> memref<2x2x120xi32, #tpu.memory_space<hbm>>
        %dma_start3A_325 = arith.constant 0 : i32
        %dma_start3A_326 = arith.constant 0 : i32
        %dma_start3A_327 = arith.constant 0 : i32
        %dma_start3A_328 = tpu.memref_slice %arg3[%arg0, %add3A_319, %dma_start3A_325, %dma_start3A_326, %dma_start3A_327] : memref<2x1344x2x2x120xi32, #tpu.memory_space<hbm>> -> memref<1x1x2x2x120xi32, #tpu.memory_space<hbm>>
        %dma_start3A_329 = tpu.memref_squeeze %dma_start3A_328 : memref<1x1x2x2x120xi32, #tpu.memory_space<hbm>> -> memref<2x2x120xi32, #tpu.memory_space<hbm>>
        tpu.enqueue_dma source(%dma_start3A_329 : memref<2x2x120xi32, #tpu.memory_space<hbm>>) target(%arg6 : memref<2x2x120xi32, #tpu.memory_space<vmem>>) target_semaphore(%arg13 : memref<!tpu.dma_semaphore, #tpu.memory_space<semaphore_mem>>)
      } else {
      }
      %dma_start3A_184 = arith.constant 0 : i32
      %dma_start3A_185 = arith.constant 1 : i32
      %dma_start3A_186 = arith.constant 0 : i32
      %dma_start3A_187 = tpu.memref_slice %arg7[%dma_start3A_184, %dma_start3A_185, %dma_start3A_186] : memref<2x2x120xi32, #tpu.memory_space<vmem>> -> memref<1x1x120xi32, #tpu.memory_space<vmem>>
      %dma_start3A_188 = tpu.memref_squeeze %dma_start3A_187 : memref<1x1x120xi32, #tpu.memory_space<vmem>> -> memref<120xi32, #tpu.memory_space<vmem>>
      %dma_start3A_189 = arith.constant 0 : i32
      %dma_start3A_190 = arith.constant 0 : i32
      %dma_start3A_191 = tpu.memref_slice %arg12[%dma_start3A_189, %dma_start3A_190] : memref<10112x128xf32, #tpu.memory_space<vmem_shared>> -> memref<10112x128xf32, #tpu.memory_space<vmem_shared>>
      tpu.enqueue_indirect_dma source(%arg11 : memref<120x128xf32, #tpu.memory_space<vmem>>) target(%dma_start3A_191 : memref<10112x128xf32, #tpu.memory_space<vmem_shared>>) offsets(%dma_start3A_188 : memref<120xi32, #tpu.memory_space<vmem>>) semaphore(%arg21 : memref<!tpu.dma_semaphore, #tpu.memory_space<semaphore_mem>>) {add = true}
      %mul3A_192 = arith.constant 6 : i32
      %mul3A_193 = arith.muli %mul3A_192, %scan3A_82 : i32
      %add3A_194 = arith.constant 3 : i32
      %add3A_195 = arith.addi %mul3A_193, %add3A_194 : i32
      %dma_wait3A_196 = arith.constant 1 : i32
      %dma_wait3A_197 = arith.constant 0 : i32
      %dma_wait3A_198 = arith.constant 0 : i32
      %dma_wait3A_199 = tpu.memref_slice %arg7[%dma_wait3A_196, %dma_wait3A_197, %dma_wait3A_198] : memref<2x2x120xi32, #tpu.memory_space<vmem>> -> memref<1x1x120xi32, #tpu.memory_space<vmem>>
      %dma_wait3A_200 = tpu.memref_squeeze %dma_wait3A_199 : memref<1x1x120xi32, #tpu.memory_space<vmem>> -> memref<120xi32, #tpu.memory_space<vmem>>
      %dma_wait3A_201 = arith.constant 0 : i32
      %dma_wait3A_202 = arith.constant 0 : i32
      %dma_wait3A_203 = tpu.memref_slice %arg2[%dma_wait3A_201, %dma_wait3A_202] : memref<20000x128xf32, #tpu.memory_space<hbm>> -> memref<20000x128xf32, #tpu.memory_space<hbm>>
      tpu.wait_indirect_dma semaphore(%arg16 : memref<!tpu.dma_semaphore, #tpu.memory_space<semaphore_mem>>) src(%dma_wait3A_203 : memref<20000x128xf32, #tpu.memory_space<hbm>>) dst(%arg9 : memref<120x128xf32, #tpu.memory_space<vmem>>)
      %dma_wait3A_204 = arith.constant 0 : i32
      %dma_wait3A_205 = arith.constant 1 : i32
      %dma_wait3A_206 = arith.constant 0 : i32
      %dma_wait3A_207 = tpu.memref_slice %arg7[%dma_wait3A_204, %dma_wait3A_205, %dma_wait3A_206] : memref<2x2x120xi32, #tpu.memory_space<vmem>> -> memref<1x1x120xi32, #tpu.memory_space<vmem>>
      %dma_wait3A_208 = tpu.memref_squeeze %dma_wait3A_207 : memref<1x1x120xi32, #tpu.memory_space<vmem>> -> memref<120xi32, #tpu.memory_space<vmem>>
      %dma_wait3A_209 = arith.constant 0 : i32
      %dma_wait3A_210 = arith.constant 0 : i32
      %dma_wait3A_211 = tpu.memref_slice %arg12[%dma_wait3A_209, %dma_wait3A_210] : memref<10112x128xf32, #tpu.memory_space<vmem_shared>> -> memref<10112x128xf32, #tpu.memory_space<vmem_shared>>
      tpu.wait_indirect_dma semaphore(%arg21 : memref<!tpu.dma_semaphore, #tpu.memory_space<semaphore_mem>>) src(%arg11 : memref<120x128xf32, #tpu.memory_space<vmem>>) dst(%dma_wait3A_211 : memref<10112x128xf32, #tpu.memory_space<vmem_shared>>)
      %add3A_212 = arith.constant 2 : i32
      %add3A_213 = arith.addi %add3A_195, %add3A_212 : i32
      %lt3A_214 = arith.constant 168 : i32
      %lt3A_215 = arith.cmpi slt, %add3A_213, %lt3A_214 : i32
      %convert_element_type3A_216 = arith.extui %lt3A_215 : i1 to i32
      %cond3A_217 = arith.constant 0 : i32
      %cond3A_218 = arith.cmpi ne, %convert_element_type3A_216, %cond3A_217 : i32
      scf.if %cond3A_218 {
        %dma_start3A_301 = arith.constant 1 : i32
        %dma_start3A_302 = arith.constant 0 : i32
        %dma_start3A_303 = arith.constant 0 : i32
        %dma_start3A_304 = tpu.memref_slice %arg8[%dma_start3A_301, %dma_start3A_302, %dma_start3A_303] : memref<2x2x120xi32, #tpu.memory_space<vmem>> -> memref<1x1x120xi32, #tpu.memory_space<vmem>>
        %dma_start3A_305 = tpu.memref_squeeze %dma_start3A_304 : memref<1x1x120xi32, #tpu.memory_space<vmem>> -> memref<120xi32, #tpu.memory_space<vmem>>
        %dma_start3A_306 = arith.constant 0 : i32
        %dma_start3A_307 = arith.constant 0 : i32
        %dma_start3A_308 = tpu.memref_slice %arg2[%dma_start3A_306, %dma_start3A_307] : memref<20000x128xf32, #tpu.memory_space<hbm>> -> memref<20000x128xf32, #tpu.memory_space<hbm>>
        tpu.enqueue_indirect_dma source(%dma_start3A_308 : memref<20000x128xf32, #tpu.memory_space<hbm>>) target(%arg11 : memref<120x128xf32, #tpu.memory_space<vmem>>) offsets(%dma_start3A_305 : memref<120xi32, #tpu.memory_space<vmem>>) semaphore(%arg18 : memref<!tpu.dma_semaphore, #tpu.memory_space<semaphore_mem>>)
      } else {
      }
      %dma_start3A_219 = arith.constant 1 : i32
      %dma_start3A_220 = arith.constant 1 : i32
      %dma_start3A_221 = arith.constant 0 : i32
      %dma_start3A_222 = tpu.memref_slice %arg7[%dma_start3A_219, %dma_start3A_220, %dma_start3A_221] : memref<2x2x120xi32, #tpu.memory_space<vmem>> -> memref<1x1x120xi32, #tpu.memory_space<vmem>>
      %dma_start3A_223 = tpu.memref_squeeze %dma_start3A_222 : memref<1x1x120xi32, #tpu.memory_space<vmem>> -> memref<120xi32, #tpu.memory_space<vmem>>
      %dma_start3A_224 = arith.constant 0 : i32
      %dma_start3A_225 = arith.constant 0 : i32
      %dma_start3A_226 = tpu.memref_slice %arg12[%dma_start3A_224, %dma_start3A_225] : memref<10112x128xf32, #tpu.memory_space<vmem_shared>> -> memref<10112x128xf32, #tpu.memory_space<vmem_shared>>
      tpu.enqueue_indirect_dma source(%arg9 : memref<120x128xf32, #tpu.memory_space<vmem>>) target(%dma_start3A_226 : memref<10112x128xf32, #tpu.memory_space<vmem_shared>>) offsets(%dma_start3A_223 : memref<120xi32, #tpu.memory_space<vmem>>) semaphore(%arg19 : memref<!tpu.dma_semaphore, #tpu.memory_space<semaphore_mem>>) {add = true}
      %mul3A_227 = arith.constant 6 : i32
      %mul3A_228 = arith.muli %mul3A_227, %scan3A_82 : i32
      %add3A_229 = arith.constant 4 : i32
      %add3A_230 = arith.addi %mul3A_228, %add3A_229 : i32
      %dma_wait3A_231 = arith.constant 0 : i32
      %dma_wait3A_232 = arith.constant 0 : i32
      %dma_wait3A_233 = arith.constant 0 : i32
      %dma_wait3A_234 = tpu.memref_slice %arg8[%dma_wait3A_231, %dma_wait3A_232, %dma_wait3A_233] : memref<2x2x120xi32, #tpu.memory_space<vmem>> -> memref<1x1x120xi32, #tpu.memory_space<vmem>>
      %dma_wait3A_235 = tpu.memref_squeeze %dma_wait3A_234 : memref<1x1x120xi32, #tpu.memory_space<vmem>> -> memref<120xi32, #tpu.memory_space<vmem>>
      %dma_wait3A_236 = arith.constant 0 : i32
      %dma_wait3A_237 = arith.constant 0 : i32
      %dma_wait3A_238 = tpu.memref_slice %arg2[%dma_wait3A_236, %dma_wait3A_237] : memref<20000x128xf32, #tpu.memory_space<hbm>> -> memref<20000x128xf32, #tpu.memory_space<hbm>>
      tpu.wait_indirect_dma semaphore(%arg17 : memref<!tpu.dma_semaphore, #tpu.memory_space<semaphore_mem>>) src(%dma_wait3A_238 : memref<20000x128xf32, #tpu.memory_space<hbm>>) dst(%arg10 : memref<120x128xf32, #tpu.memory_space<vmem>>)
      %ge3A_239 = arith.constant 1 : i32
      %ge3A_240 = arith.cmpi sge, %add3A_230, %ge3A_239 : i32
      %convert_element_type3A_241 = arith.extui %ge3A_240 : i1 to i32
      %cond3A_242 = arith.constant 0 : i32
      %cond3A_243 = arith.cmpi ne, %convert_element_type3A_241, %cond3A_242 : i32
      scf.if %cond3A_243 {
        %dma_wait3A_301 = arith.constant 1 : i32
        %dma_wait3A_302 = arith.constant 1 : i32
        %dma_wait3A_303 = arith.constant 0 : i32
        %dma_wait3A_304 = tpu.memref_slice %arg7[%dma_wait3A_301, %dma_wait3A_302, %dma_wait3A_303] : memref<2x2x120xi32, #tpu.memory_space<vmem>> -> memref<1x1x120xi32, #tpu.memory_space<vmem>>
        %dma_wait3A_305 = tpu.memref_squeeze %dma_wait3A_304 : memref<1x1x120xi32, #tpu.memory_space<vmem>> -> memref<120xi32, #tpu.memory_space<vmem>>
        %dma_wait3A_306 = arith.constant 0 : i32
        %dma_wait3A_307 = arith.constant 0 : i32
        %dma_wait3A_308 = tpu.memref_slice %arg12[%dma_wait3A_306, %dma_wait3A_307] : memref<10112x128xf32, #tpu.memory_space<vmem_shared>> -> memref<10112x128xf32, #tpu.memory_space<vmem_shared>>
        tpu.wait_indirect_dma semaphore(%arg19 : memref<!tpu.dma_semaphore, #tpu.memory_space<semaphore_mem>>) src(%arg9 : memref<120x128xf32, #tpu.memory_space<vmem>>) dst(%dma_wait3A_308 : memref<10112x128xf32, #tpu.memory_space<vmem_shared>>)
      } else {
      }
      %add3A_244 = arith.constant 2 : i32
      %add3A_245 = arith.addi %add3A_230, %add3A_244 : i32
      %lt3A_246 = arith.constant 168 : i32
      %lt3A_247 = arith.cmpi slt, %add3A_245, %lt3A_246 : i32
      %convert_element_type3A_248 = arith.extui %lt3A_247 : i1 to i32
      %cond3A_249 = arith.constant 0 : i32
      %cond3A_250 = arith.cmpi ne, %convert_element_type3A_248, %cond3A_249 : i32
      scf.if %cond3A_250 {
        %jit3A = arith.constant 2 : i32
        %div3A = arith.divsi %add3A_230, %jit3A : i32
        %sign3A = arith.constant 0 : i32
        %sign3A_301 = arith.cmpi sgt, %add3A_230, %sign3A : i32
        %sign3A_302 = arith.extui %sign3A_301 : i1 to i32
        %sign3A_303 = arith.constant 0 : i32
        %sign3A_304 = arith.cmpi slt, %add3A_230, %sign3A_303 : i32
        %sign3A_305 = arith.extui %sign3A_304 : i1 to i32
        %sign3A_306 = arith.subi %sign3A_302, %sign3A_305 : i32
        %sign3A_307 = arith.constant 0 : i32
        %sign3A_308 = arith.cmpi sgt, %jit3A, %sign3A_307 : i32
        %sign3A_309 = arith.extui %sign3A_308 : i1 to i32
        %sign3A_310 = arith.constant 0 : i32
        %sign3A_311 = arith.cmpi slt, %jit3A, %sign3A_310 : i32
        %sign3A_312 = arith.extui %sign3A_311 : i1 to i32
        %sign3A_313 = arith.subi %sign3A_309, %sign3A_312 : i32
        %ne3A = arith.cmpi ne, %sign3A_306, %sign3A_313 : i32
        %rem3A = arith.remsi %add3A_230, %jit3A : i32
        %ne3A_314 = arith.constant 0 : i32
        %ne3A_315 = arith.cmpi ne, %rem3A, %ne3A_314 : i32
        %and3A = arith.andi %ne3A, %ne3A_315 : i1
        %sub3A = arith.constant 1 : i32
        %sub3A_316 = arith.subi %div3A, %sub3A : i32
        %select_n3A = arith.select %and3A, %sub3A_316, %div3A : i32
        %add3A_317 = arith.constant 1 : i32
        %add3A_318 = arith.addi %select_n3A, %add3A_317 : i32
        %add3A_319 = arith.addi %mul3A_2, %add3A_318 : i32
        %dma_wait3A_320 = arith.constant 0 : i32
        %dma_wait3A_321 = arith.constant 0 : i32
        %dma_wait3A_322 = arith.constant 0 : i32
        %dma_wait3A_323 = tpu.memref_slice %arg3[%arg0, %add3A_319, %dma_wait3A_320, %dma_wait3A_321, %dma_wait3A_322] : memref<2x1344x2x2x120xi32, #tpu.memory_space<hbm>> -> memref<1x1x2x2x120xi32, #tpu.memory_space<hbm>>
        %dma_wait3A_324 = tpu.memref_squeeze %dma_wait3A_323 : memref<1x1x2x2x120xi32, #tpu.memory_space<hbm>> -> memref<2x2x120xi32, #tpu.memory_space<hbm>>
        %dma_wait3A_325 = arith.constant 0 : i32
        %dma_wait3A_326 = arith.constant 0 : i32
        %dma_wait3A_327 = arith.constant 0 : i32
        %dma_wait3A_328 = tpu.memref_slice %arg3[%arg0, %add3A_319, %dma_wait3A_325, %dma_wait3A_326, %dma_wait3A_327] : memref<2x1344x2x2x120xi32, #tpu.memory_space<hbm>> -> memref<1x1x2x2x120xi32, #tpu.memory_space<hbm>>
        %dma_wait3A_329 = tpu.memref_squeeze %dma_wait3A_328 : memref<1x1x2x2x120xi32, #tpu.memory_space<hbm>> -> memref<2x2x120xi32, #tpu.memory_space<hbm>>
        tpu.wait_dma2 semaphore(%arg13 : memref<!tpu.dma_semaphore, #tpu.memory_space<semaphore_mem>>) src(%dma_wait3A_329 : memref<2x2x120xi32, #tpu.memory_space<hbm>>) dst(%arg6 : memref<2x2x120xi32, #tpu.memory_space<vmem>>)
        %dma_start3A_330 = arith.constant 0 : i32
        %dma_start3A_331 = arith.constant 0 : i32
        %dma_start3A_332 = arith.constant 0 : i32
        %dma_start3A_333 = tpu.memref_slice %arg6[%dma_start3A_330, %dma_start3A_331, %dma_start3A_332] : memref<2x2x120xi32, #tpu.memory_space<vmem>> -> memref<1x1x120xi32, #tpu.memory_space<vmem>>
        %dma_start3A_334 = tpu.memref_squeeze %dma_start3A_333 : memref<1x1x120xi32, #tpu.memory_space<vmem>> -> memref<120xi32, #tpu.memory_space<vmem>>
        %dma_start3A_335 = arith.constant 0 : i32
        %dma_start3A_336 = arith.constant 0 : i32
        %dma_start3A_337 = tpu.memref_slice %arg2[%dma_start3A_335, %dma_start3A_336] : memref<20000x128xf32, #tpu.memory_space<hbm>> -> memref<20000x128xf32, #tpu.memory_space<hbm>>
        tpu.enqueue_indirect_dma source(%dma_start3A_337 : memref<20000x128xf32, #tpu.memory_space<hbm>>) target(%arg9 : memref<120x128xf32, #tpu.memory_space<vmem>>) offsets(%dma_start3A_334 : memref<120xi32, #tpu.memory_space<vmem>>) semaphore(%arg16 : memref<!tpu.dma_semaphore, #tpu.memory_space<semaphore_mem>>)
      } else {
      }
      %add3A_251 = arith.constant 4 : i32
      %add3A_252 = arith.addi %add3A_230, %add3A_251 : i32
      %lt3A_253 = arith.constant 168 : i32
      %lt3A_254 = arith.cmpi slt, %add3A_252, %lt3A_253 : i32
      %convert_element_type3A_255 = arith.extui %lt3A_254 : i1 to i32
      %cond3A_256 = arith.constant 0 : i32
      %cond3A_257 = arith.cmpi ne, %convert_element_type3A_255, %cond3A_256 : i32
      scf.if %cond3A_257 {
        %jit3A = arith.constant 2 : i32
        %div3A = arith.divsi %add3A_230, %jit3A : i32
        %sign3A = arith.constant 0 : i32
        %sign3A_301 = arith.cmpi sgt, %add3A_230, %sign3A : i32
        %sign3A_302 = arith.extui %sign3A_301 : i1 to i32
        %sign3A_303 = arith.constant 0 : i32
        %sign3A_304 = arith.cmpi slt, %add3A_230, %sign3A_303 : i32
        %sign3A_305 = arith.extui %sign3A_304 : i1 to i32
        %sign3A_306 = arith.subi %sign3A_302, %sign3A_305 : i32
        %sign3A_307 = arith.constant 0 : i32
        %sign3A_308 = arith.cmpi sgt, %jit3A, %sign3A_307 : i32
        %sign3A_309 = arith.extui %sign3A_308 : i1 to i32
        %sign3A_310 = arith.constant 0 : i32
        %sign3A_311 = arith.cmpi slt, %jit3A, %sign3A_310 : i32
        %sign3A_312 = arith.extui %sign3A_311 : i1 to i32
        %sign3A_313 = arith.subi %sign3A_309, %sign3A_312 : i32
        %ne3A = arith.cmpi ne, %sign3A_306, %sign3A_313 : i32
        %rem3A = arith.remsi %add3A_230, %jit3A : i32
        %ne3A_314 = arith.constant 0 : i32
        %ne3A_315 = arith.cmpi ne, %rem3A, %ne3A_314 : i32
        %and3A = arith.andi %ne3A, %ne3A_315 : i1
        %sub3A = arith.constant 1 : i32
        %sub3A_316 = arith.subi %div3A, %sub3A : i32
        %select_n3A = arith.select %and3A, %sub3A_316, %div3A : i32
        %add3A_317 = arith.constant 2 : i32
        %add3A_318 = arith.addi %select_n3A, %add3A_317 : i32
        %add3A_319 = arith.addi %mul3A_2, %add3A_318 : i32
        %dma_start3A_320 = arith.constant 0 : i32
        %dma_start3A_321 = arith.constant 0 : i32
        %dma_start3A_322 = arith.constant 0 : i32
        %dma_start3A_323 = tpu.memref_slice %arg3[%arg0, %add3A_319, %dma_start3A_320, %dma_start3A_321, %dma_start3A_322] : memref<2x1344x2x2x120xi32, #tpu.memory_space<hbm>> -> memref<1x1x2x2x120xi32, #tpu.memory_space<hbm>>
        %dma_start3A_324 = tpu.memref_squeeze %dma_start3A_323 : memref<1x1x2x2x120xi32, #tpu.memory_space<hbm>> -> memref<2x2x120xi32, #tpu.memory_space<hbm>>
        %dma_start3A_325 = arith.constant 0 : i32
        %dma_start3A_326 = arith.constant 0 : i32
        %dma_start3A_327 = arith.constant 0 : i32
        %dma_start3A_328 = tpu.memref_slice %arg3[%arg0, %add3A_319, %dma_start3A_325, %dma_start3A_326, %dma_start3A_327] : memref<2x1344x2x2x120xi32, #tpu.memory_space<hbm>> -> memref<1x1x2x2x120xi32, #tpu.memory_space<hbm>>
        %dma_start3A_329 = tpu.memref_squeeze %dma_start3A_328 : memref<1x1x2x2x120xi32, #tpu.memory_space<hbm>> -> memref<2x2x120xi32, #tpu.memory_space<hbm>>
        tpu.enqueue_dma source(%dma_start3A_329 : memref<2x2x120xi32, #tpu.memory_space<hbm>>) target(%arg7 : memref<2x2x120xi32, #tpu.memory_space<vmem>>) target_semaphore(%arg14 : memref<!tpu.dma_semaphore, #tpu.memory_space<semaphore_mem>>)
      } else {
      }
      %dma_start3A_258 = arith.constant 0 : i32
      %dma_start3A_259 = arith.constant 1 : i32
      %dma_start3A_260 = arith.constant 0 : i32
      %dma_start3A_261 = tpu.memref_slice %arg8[%dma_start3A_258, %dma_start3A_259, %dma_start3A_260] : memref<2x2x120xi32, #tpu.memory_space<vmem>> -> memref<1x1x120xi32, #tpu.memory_space<vmem>>
      %dma_start3A_262 = tpu.memref_squeeze %dma_start3A_261 : memref<1x1x120xi32, #tpu.memory_space<vmem>> -> memref<120xi32, #tpu.memory_space<vmem>>
      %dma_start3A_263 = arith.constant 0 : i32
      %dma_start3A_264 = arith.constant 0 : i32
      %dma_start3A_265 = tpu.memref_slice %arg12[%dma_start3A_263, %dma_start3A_264] : memref<10112x128xf32, #tpu.memory_space<vmem_shared>> -> memref<10112x128xf32, #tpu.memory_space<vmem_shared>>
      tpu.enqueue_indirect_dma source(%arg10 : memref<120x128xf32, #tpu.memory_space<vmem>>) target(%dma_start3A_265 : memref<10112x128xf32, #tpu.memory_space<vmem_shared>>) offsets(%dma_start3A_262 : memref<120xi32, #tpu.memory_space<vmem>>) semaphore(%arg20 : memref<!tpu.dma_semaphore, #tpu.memory_space<semaphore_mem>>) {add = true}
      %mul3A_266 = arith.constant 6 : i32
      %mul3A_267 = arith.muli %mul3A_266, %scan3A_82 : i32
      %add3A_268 = arith.constant 5 : i32
      %add3A_269 = arith.addi %mul3A_267, %add3A_268 : i32
      %dma_wait3A_270 = arith.constant 1 : i32
      %dma_wait3A_271 = arith.constant 0 : i32
      %dma_wait3A_272 = arith.constant 0 : i32
      %dma_wait3A_273 = tpu.memref_slice %arg8[%dma_wait3A_270, %dma_wait3A_271, %dma_wait3A_272] : memref<2x2x120xi32, #tpu.memory_space<vmem>> -> memref<1x1x120xi32, #tpu.memory_space<vmem>>
      %dma_wait3A_274 = tpu.memref_squeeze %dma_wait3A_273 : memref<1x1x120xi32, #tpu.memory_space<vmem>> -> memref<120xi32, #tpu.memory_space<vmem>>
      %dma_wait3A_275 = arith.constant 0 : i32
      %dma_wait3A_276 = arith.constant 0 : i32
      %dma_wait3A_277 = tpu.memref_slice %arg2[%dma_wait3A_275, %dma_wait3A_276] : memref<20000x128xf32, #tpu.memory_space<hbm>> -> memref<20000x128xf32, #tpu.memory_space<hbm>>
      tpu.wait_indirect_dma semaphore(%arg18 : memref<!tpu.dma_semaphore, #tpu.memory_space<semaphore_mem>>) src(%dma_wait3A_277 : memref<20000x128xf32, #tpu.memory_space<hbm>>) dst(%arg11 : memref<120x128xf32, #tpu.memory_space<vmem>>)
      %dma_wait3A_278 = arith.constant 0 : i32
      %dma_wait3A_279 = arith.constant 1 : i32
      %dma_wait3A_280 = arith.constant 0 : i32
      %dma_wait3A_281 = tpu.memref_slice %arg8[%dma_wait3A_278, %dma_wait3A_279, %dma_wait3A_280] : memref<2x2x120xi32, #tpu.memory_space<vmem>> -> memref<1x1x120xi32, #tpu.memory_space<vmem>>
      %dma_wait3A_282 = tpu.memref_squeeze %dma_wait3A_281 : memref<1x1x120xi32, #tpu.memory_space<vmem>> -> memref<120xi32, #tpu.memory_space<vmem>>
      %dma_wait3A_283 = arith.constant 0 : i32
      %dma_wait3A_284 = arith.constant 0 : i32
      %dma_wait3A_285 = tpu.memref_slice %arg12[%dma_wait3A_283, %dma_wait3A_284] : memref<10112x128xf32, #tpu.memory_space<vmem_shared>> -> memref<10112x128xf32, #tpu.memory_space<vmem_shared>>
      tpu.wait_indirect_dma semaphore(%arg20 : memref<!tpu.dma_semaphore, #tpu.memory_space<semaphore_mem>>) src(%arg10 : memref<120x128xf32, #tpu.memory_space<vmem>>) dst(%dma_wait3A_285 : memref<10112x128xf32, #tpu.memory_space<vmem_shared>>)
      %add3A_286 = arith.constant 2 : i32
      %add3A_287 = arith.addi %add3A_269, %add3A_286 : i32
      %lt3A_288 = arith.constant 168 : i32
      %lt3A_289 = arith.cmpi slt, %add3A_287, %lt3A_288 : i32
      %convert_element_type3A_290 = arith.extui %lt3A_289 : i1 to i32
      %cond3A_291 = arith.constant 0 : i32
      %cond3A_292 = arith.cmpi ne, %convert_element_type3A_290, %cond3A_291 : i32
      scf.if %cond3A_292 {
        %dma_start3A_301 = arith.constant 1 : i32
        %dma_start3A_302 = arith.constant 0 : i32
        %dma_start3A_303 = arith.constant 0 : i32
        %dma_start3A_304 = tpu.memref_slice %arg6[%dma_start3A_301, %dma_start3A_302, %dma_start3A_303] : memref<2x2x120xi32, #tpu.memory_space<vmem>> -> memref<1x1x120xi32, #tpu.memory_space<vmem>>
        %dma_start3A_305 = tpu.memref_squeeze %dma_start3A_304 : memref<1x1x120xi32, #tpu.memory_space<vmem>> -> memref<120xi32, #tpu.memory_space<vmem>>
        %dma_start3A_306 = arith.constant 0 : i32
        %dma_start3A_307 = arith.constant 0 : i32
        %dma_start3A_308 = tpu.memref_slice %arg2[%dma_start3A_306, %dma_start3A_307] : memref<20000x128xf32, #tpu.memory_space<hbm>> -> memref<20000x128xf32, #tpu.memory_space<hbm>>
        tpu.enqueue_indirect_dma source(%dma_start3A_308 : memref<20000x128xf32, #tpu.memory_space<hbm>>) target(%arg10 : memref<120x128xf32, #tpu.memory_space<vmem>>) offsets(%dma_start3A_305 : memref<120xi32, #tpu.memory_space<vmem>>) semaphore(%arg17 : memref<!tpu.dma_semaphore, #tpu.memory_space<semaphore_mem>>)
      } else {
      }
      %dma_start3A_293 = arith.constant 1 : i32
      %dma_start3A_294 = arith.constant 1 : i32
      %dma_start3A_295 = arith.constant 0 : i32
      %dma_start3A_296 = tpu.memref_slice %arg8[%dma_start3A_293, %dma_start3A_294, %dma_start3A_295] : memref<2x2x120xi32, #tpu.memory_space<vmem>> -> memref<1x1x120xi32, #tpu.memory_space<vmem>>
      %dma_start3A_297 = tpu.memref_squeeze %dma_start3A_296 : memref<1x1x120xi32, #tpu.memory_space<vmem>> -> memref<120xi32, #tpu.memory_space<vmem>>
      %dma_start3A_298 = arith.constant 0 : i32
      %dma_start3A_299 = arith.constant 0 : i32
      %dma_start3A_300 = tpu.memref_slice %arg12[%dma_start3A_298, %dma_start3A_299] : memref<10112x128xf32, #tpu.memory_space<vmem_shared>> -> memref<10112x128xf32, #tpu.memory_space<vmem_shared>>
      tpu.enqueue_indirect_dma source(%arg11 : memref<120x128xf32, #tpu.memory_space<vmem>>) target(%dma_start3A_300 : memref<10112x128xf32, #tpu.memory_space<vmem_shared>>) offsets(%dma_start3A_297 : memref<120xi32, #tpu.memory_space<vmem>>) semaphore(%arg21 : memref<!tpu.dma_semaphore, #tpu.memory_space<semaphore_mem>>) {add = true}
    }
    %scan3A_68 = arith.constant 28 : i32
    %dma_wait3A_69 = arith.constant 1 : i32
    %dma_wait3A_70 = arith.constant 1 : i32
    %dma_wait3A_71 = arith.constant 0 : i32
    %dma_wait3A_72 = tpu.memref_slice %arg8[%dma_wait3A_69, %dma_wait3A_70, %dma_wait3A_71] : memref<2x2x120xi32, #tpu.memory_space<vmem>> -> memref<1x1x120xi32, #tpu.memory_space<vmem>>
    %dma_wait3A_73 = tpu.memref_squeeze %dma_wait3A_72 : memref<1x1x120xi32, #tpu.memory_space<vmem>> -> memref<120xi32, #tpu.memory_space<vmem>>
    %dma_wait3A_74 = arith.constant 0 : i32
    %dma_wait3A_75 = arith.constant 0 : i32
    %dma_wait3A_76 = tpu.memref_slice %arg12[%dma_wait3A_74, %dma_wait3A_75] : memref<10112x128xf32, #tpu.memory_space<vmem_shared>> -> memref<10112x128xf32, #tpu.memory_space<vmem_shared>>
    tpu.wait_indirect_dma semaphore(%arg21 : memref<!tpu.dma_semaphore, #tpu.memory_space<semaphore_mem>>) src(%arg11 : memref<120x128xf32, #tpu.memory_space<vmem>>) dst(%dma_wait3A_76 : memref<10112x128xf32, #tpu.memory_space<vmem_shared>>)
    %barrier3A_77 = arith.constant 0 : index
    tpu.barrier barrier_id(%barrier3A_77)
    %mul3A_78 = arith.constant 632 : i32
    %mul3A_79 = arith.muli %arg1, %mul3A_78 : i32
    %mul3A_80 = arith.constant 632 : i32
    %mul3A_81 = arith.muli %arg1, %mul3A_80 : i32
    "tpu.region"() ({
      %run_scoped3A = tpu.sem_alloc : memref<!tpu.dma_semaphore, #tpu.memory_space<semaphore_mem>>
      %dma_start3A_82 = arith.constant 0 : i32
      %dma_start3A_83 = tpu.memref_slice %arg5[%arg0, %mul3A_81, %dma_start3A_82] : memref<2x10112x128xf32, #tpu.memory_space<hbm>> -> memref<1x632x128xf32, #tpu.memory_space<hbm>>
      %dma_start3A_84 = tpu.memref_squeeze %dma_start3A_83 : memref<1x632x128xf32, #tpu.memory_space<hbm>> -> memref<632x128xf32, #tpu.memory_space<hbm>>
      %dma_start3A_85 = arith.constant 0 : i32
      %dma_start3A_86 = tpu.memref_slice %arg12[%mul3A_79, %dma_start3A_85] : memref<10112x128xf32, #tpu.memory_space<vmem_shared>> -> memref<632x128xf32, #tpu.memory_space<vmem_shared>>
      tpu.enqueue_dma source(%dma_start3A_86 : memref<632x128xf32, #tpu.memory_space<vmem_shared>>) target(%dma_start3A_84 : memref<632x128xf32, #tpu.memory_space<hbm>>) target_semaphore(%run_scoped3A : memref<!tpu.dma_semaphore, #tpu.memory_space<semaphore_mem>>)
      %dma_wait3A_87 = arith.constant 0 : i32
      %dma_wait3A_88 = tpu.memref_slice %arg5[%arg0, %mul3A_81, %dma_wait3A_87] : memref<2x10112x128xf32, #tpu.memory_space<hbm>> -> memref<1x632x128xf32, #tpu.memory_space<hbm>>
      %dma_wait3A_89 = tpu.memref_squeeze %dma_wait3A_88 : memref<1x632x128xf32, #tpu.memory_space<hbm>> -> memref<632x128xf32, #tpu.memory_space<hbm>>
      %dma_wait3A_90 = arith.constant 0 : i32
      %dma_wait3A_91 = tpu.memref_slice %arg12[%mul3A_79, %dma_wait3A_90] : memref<10112x128xf32, #tpu.memory_space<vmem_shared>> -> memref<632x128xf32, #tpu.memory_space<vmem_shared>>
      tpu.wait_dma2 semaphore(%run_scoped3A : memref<!tpu.dma_semaphore, #tpu.memory_space<semaphore_mem>>) src(%dma_wait3A_91 : memref<632x128xf32, #tpu.memory_space<vmem_shared>>) dst(%dma_wait3A_89 : memref<632x128xf32, #tpu.memory_space<hbm>>)
      tpu.yield
    }) : () -> ()
    return
  }
}

#map = affine_map<(d0, d1) -> (0, 0)>
#map1 = affine_map<(d0, d1) -> (0, 0, 0, 0, 0)>
#map2 = affine_map<(d0, d1) -> (0, 0, 0)>
module attributes {stable_mosaic.version = 14 : i64} {
  func.func @body(%arg0: i32, %arg1: i32, %arg2: memref<20000x128xf32, #tpu.memory_space<hbm>>, %arg3: memref<2x1344x2x2x120xi32, #tpu.memory_space<hbm>>, %arg4: memref<632x128xf32, #tpu.memory_space<hbm>>, %arg5: memref<2x10112x128xf32, #tpu.memory_space<hbm>>, %arg6: memref<2x2x120xi32, #tpu.memory_space<vmem>>, %arg7: memref<2x2x120xi32, #tpu.memory_space<vmem>>, %arg8: memref<2x2x120xi32, #tpu.memory_space<vmem>>, %arg9: memref<120x128xf32, #tpu.memory_space<vmem>>, %arg10: memref<120x128xf32, #tpu.memory_space<vmem>>, %arg11: memref<120x128xf32, #tpu.memory_space<vmem>>, %arg12: memref<10112x128xf32, #tpu.memory_space<vmem_shared>>, %arg13: memref<!tpu.dma_semaphore, #tpu.memory_space<semaphore_mem>>, %arg14: memref<!tpu.dma_semaphore, #tpu.memory_space<semaphore_mem>>, %arg15: memref<!tpu.dma_semaphore, #tpu.memory_space<semaphore_mem>>, %arg16: memref<!tpu.dma_semaphore, #tpu.memory_space<semaphore_mem>>, %arg17: memref<!tpu.dma_semaphore, #tpu.memory_space<semaphore_mem>>, %arg18: memref<!tpu.dma_semaphore, #tpu.memory_space<semaphore_mem>>, %arg19: memref<!tpu.dma_semaphore, #tpu.memory_space<semaphore_mem>>, %arg20: memref<!tpu.dma_semaphore, #tpu.memory_space<semaphore_mem>>, %arg21: memref<!tpu.dma_semaphore, #tpu.memory_space<semaphore_mem>>) attributes {dimension_semantics = [#tpu.dimension_semantics<core_parallel>, #tpu.dimension_semantics<subcore_parallel>], iteration_bounds = array<i64: 2, 16>, scalar_prefetch = 0 : i64, scratch_operands = 16 : i64, tpu.core_type = #tpu.core_type<sc_vector_subcore>, window_params = [{transform_indices = #map}, {transform_indices = #map1}, {transform_indices = #map}, {transform_indices = #map2}]} {
    %mul3A = arith.constant 632 : i32
    %mul3A_0 = arith.muli %arg1, %mul3A : i32
    "tpu.region"() ({
      %run_scoped3A = tpu.sem_alloc : memref<!tpu.dma_semaphore, #tpu.memory_space<semaphore_mem>>
      %dma_start3A_82 = arith.constant 0 : i32
      %dma_start3A_83 = tpu.memref_slice %arg12[%mul3A_0, %dma_start3A_82] : memref<10112x128xf32, #tpu.memory_space<vmem_shared>> -> memref<632x128xf32, #tpu.memory_space<vmem_shared>>
      tpu.enqueue_dma source(%arg4 : memref<632x128xf32, #tpu.memory_space<hbm>>) target(%dma_start3A_83 : memref<632x128xf32, #tpu.memory_space<vmem_shared>>) target_semaphore(%run_scoped3A : memref<!tpu.dma_semaphore, #tpu.memory_space<semaphore_mem>>)
      %dma_wait3A_84 = arith.constant 0 : i32
      %dma_wait3A_85 = tpu.memref_slice %arg12[%mul3A_0, %dma_wait3A_84] : memref<10112x128xf32, #tpu.memory_space<vmem_shared>> -> memref<632x128xf32, #tpu.memory_space<vmem_shared>>
      tpu.wait_dma2 semaphore(%run_scoped3A : memref<!tpu.dma_semaphore, #tpu.memory_space<semaphore_mem>>) src(%arg4 : memref<632x128xf32, #tpu.memory_space<hbm>>) dst(%dma_wait3A_85 : memref<632x128xf32, #tpu.memory_space<vmem_shared>>)
      tpu.yield
    }) : () -> ()
    %barrier3A = arith.constant 0 : index
    tpu.barrier barrier_id(%barrier3A)
    %mul3A_1 = arith.constant 84 : i32
    %mul3A_2 = arith.muli %arg1, %mul3A_1 : i32
    %add3A = arith.constant 0 : i32
    %add3A_3 = arith.addi %mul3A_2, %add3A : i32
    %dma_start3A = arith.constant 0 : i32
    %dma_start3A_4 = arith.constant 0 : i32
    %dma_start3A_5 = arith.constant 0 : i32
    %dma_start3A_6 = tpu.memref_slice %arg3[%arg0, %add3A_3, %dma_start3A, %dma_start3A_4, %dma_start3A_5] : memref<2x1344x2x2x120xi32, #tpu.memory_space<hbm>> -> memref<1x1x2x2x120xi32, #tpu.memory_space<hbm>>
    %dma_start3A_7 = tpu.memref_squeeze %dma_start3A_6 : memref<1x1x2x2x120xi32, #tpu.memory_space<hbm>> -> memref<2x2x120xi32, #tpu.memory_space<hbm>>
    %dma_start3A_8 = arith.constant 0 : i32
    %dma_start3A_9 = arith.constant 0 : i32
    %dma_start3A_10 = arith.constant 0 : i32
    %dma_start3A_11 = tpu.memref_slice %arg3[%arg0, %add3A_3, %dma_start3A_8, %dma_start3A_9, %dma_start3A_10] : memref<2x1344x2x2x120xi32, #tpu.memory_space<hbm>> -> memref<1x1x2x2x120xi32, #tpu.memory_space<hbm>>
    %dma_start3A_12 = tpu.memref_squeeze %dma_start3A_11 : memref<1x1x2x2x120xi32, #tpu.memory_space<hbm>> -> memref<2x2x120xi32, #tpu.memory_space<hbm>>
    tpu.enqueue_dma source(%dma_start3A_12 : memref<2x2x120xi32, #tpu.memory_space<hbm>>) target(%arg6 : memref<2x2x120xi32, #tpu.memory_space<vmem>>) target_semaphore(%arg13 : memref<!tpu.dma_semaphore, #tpu.memory_space<semaphore_mem>>)
    %add3A_13 = arith.constant 1 : i32
    %add3A_14 = arith.addi %mul3A_2, %add3A_13 : i32
    %dma_start3A_15 = arith.constant 0 : i32
    %dma_start3A_16 = arith.constant 0 : i32
    %dma_start3A_17 = arith.constant 0 : i32
    %dma_start3A_18 = tpu.memref_slice %arg3[%arg0, %add3A_14, %dma_start3A_15, %dma_start3A_16, %dma_start3A_17] : memref<2x1344x2x2x120xi32, #tpu.memory_space<hbm>> -> memref<1x1x2x2x120xi32, #tpu.memory_space<hbm>>
    %dma_start3A_19 = tpu.memref_squeeze %dma_start3A_18 : memref<1x1x2x2x120xi32, #tpu.memory_space<hbm>> -> memref<2x2x120xi32, #tpu.memory_space<hbm>>
    %dma_start3A_20 = arith.constant 0 : i32
    %dma_start3A_21 = arith.constant 0 : i32
    %dma_start3A_22 = arith.constant 0 : i32
    %dma_start3A_23 = tpu.memref_slice %arg3[%arg0, %add3A_14, %dma_start3A_20, %dma_start3A_21, %dma_start3A_22] : memref<2x1344x2x2x120xi32, #tpu.memory_space<hbm>> -> memref<1x1x2x2x120xi32, #tpu.memory_space<hbm>>
    %dma_start3A_24 = tpu.memref_squeeze %dma_start3A_23 : memref<1x1x2x2x120xi32, #tpu.memory_space<hbm>> -> memref<2x2x120xi32, #tpu.memory_space<hbm>>
    tpu.enqueue_dma source(%dma_start3A_24 : memref<2x2x120xi32, #tpu.memory_space<hbm>>) target(%arg7 : memref<2x2x120xi32, #tpu.memory_space<vmem>>) target_semaphore(%arg14 : memref<!tpu.dma_semaphore, #tpu.memory_space<semaphore_mem>>)
    %add3A_25 = arith.constant 2 : i32
    %add3A_26 = arith.addi %mul3A_2, %add3A_25 : i32
    %dma_start3A_27 = arith.constant 0 : i32
    %dma_start3A_28 = arith.constant 0 : i32
    %dma_start3A_29 = arith.constant 0 : i32
    %dma_start3A_30 = tpu.memref_slice %arg3[%arg0, %add3A_26, %dma_start3A_27, %dma_start3A_28, %dma_start3A_29] : memref<2x1344x2x2x120xi32, #tpu.memory_space<hbm>> -> memref<1x1x2x2x120xi32, #tpu.memory_space<hbm>>
    %dma_start3A_31 = tpu.memref_squeeze %dma_start3A_30 : memref<1x1x2x2x120xi32, #tpu.memory_space<hbm>> -> memref<2x2x120xi32, #tpu.memory_space<hbm>>
    %dma_start3A_32 = arith.constant 0 : i32
    %dma_start3A_33 = arith.constant 0 : i32
    %dma_start3A_34 = arith.constant 0 : i32
    %dma_start3A_35 = tpu.memref_slice %arg3[%arg0, %add3A_26, %dma_start3A_32, %dma_start3A_33, %dma_start3A_34] : memref<2x1344x2x2x120xi32, #tpu.memory_space<hbm>> -> memref<1x1x2x2x120xi32, #tpu.memory_space<hbm>>
    %dma_start3A_36 = tpu.memref_squeeze %dma_start3A_35 : memref<1x1x2x2x120xi32, #tpu.memory_space<hbm>> -> memref<2x2x120xi32, #tpu.memory_space<hbm>>
    tpu.enqueue_dma source(%dma_start3A_36 : memref<2x2x120xi32, #tpu.memory_space<hbm>>) target(%arg8 : memref<2x2x120xi32, #tpu.memory_space<vmem>>) target_semaphore(%arg15 : memref<!tpu.dma_semaphore, #tpu.memory_space<semaphore_mem>>)
    %add3A_37 = arith.constant 0 : i32
    %add3A_38 = arith.addi %mul3A_2, %add3A_37 : i32
    %dma_wait3A = arith.constant 0 : i32
    %dma_wait3A_39 = arith.constant 0 : i32
    %dma_wait3A_40 = arith.constant 0 : i32
    %dma_wait3A_41 = tpu.memref_slice %arg3[%arg0, %add3A_38, %dma_wait3A, %dma_wait3A_39, %dma_wait3A_40] : memref<2x1344x2x2x120xi32, #tpu.memory_space<hbm>> -> memref<1x1x2x2x120xi32, #tpu.memory_space<hbm>>
    %dma_wait3A_42 = tpu.memref_squeeze %dma_wait3A_41 : memref<1x1x2x2x120xi32, #tpu.memory_space<hbm>> -> memref<2x2x120xi32, #tpu.memory_space<hbm>>
    %dma_wait3A_43 = arith.constant 0 : i32
    %dma_wait3A_44 = arith.constant 0 : i32
    %dma_wait3A_45 = arith.constant 0 : i32
    %dma_wait3A_46 = tpu.memref_slice %arg3[%arg0, %add3A_38, %dma_wait3A_43, %dma_wait3A_44, %dma_wait3A_45] : memref<2x1344x2x2x120xi32, #tpu.memory_space<hbm>> -> memref<1x1x2x2x120xi32, #tpu.memory_space<hbm>>
    %dma_wait3A_47 = tpu.memref_squeeze %dma_wait3A_46 : memref<1x1x2x2x120xi32, #tpu.memory_space<hbm>> -> memref<2x2x120xi32, #tpu.memory_space<hbm>>
    tpu.wait_dma2 semaphore(%arg13 : memref<!tpu.dma_semaphore, #tpu.memory_space<semaphore_mem>>) src(%dma_wait3A_47 : memref<2x2x120xi32, #tpu.memory_space<hbm>>) dst(%arg6 : memref<2x2x120xi32, #tpu.memory_space<vmem>>)
    %dma_start3A_48 = arith.constant 0 : i32
    %dma_start3A_49 = arith.constant 0 : i32
    %dma_start3A_50 = arith.constant 0 : i32
    %dma_start3A_51 = tpu.memref_slice %arg6[%dma_start3A_48, %dma_start3A_49, %dma_start3A_50] : memref<2x2x120xi32, #tpu.memory_space<vmem>> -> memref<1x1x120xi32, #tpu.memory_space<vmem>>
    %dma_start3A_52 = tpu.memref_squeeze %dma_start3A_51 : memref<1x1x120xi32, #tpu.memory_space<vmem>> -> memref<120xi32, #tpu.memory_space<vmem>>
    %dma_start3A_53 = arith.constant 0 : i32
    %dma_start3A_54 = arith.constant 0 : i32
    %dma_start3A_55 = tpu.memref_slice %arg2[%dma_start3A_53, %dma_start3A_54] : memref<20000x128xf32, #tpu.memory_space<hbm>> -> memref<20000x128xf32, #tpu.memory_space<hbm>>
    tpu.enqueue_indirect_dma source(%dma_start3A_55 : memref<20000x128xf32, #tpu.memory_space<hbm>>) target(%arg9 : memref<120x128xf32, #tpu.memory_space<vmem>>) offsets(%dma_start3A_52 : memref<120xi32, #tpu.memory_space<vmem>>) semaphore(%arg16 : memref<!tpu.dma_semaphore, #tpu.memory_space<semaphore_mem>>)
    %dma_start3A_56 = arith.constant 1 : i32
    %dma_start3A_57 = arith.constant 0 : i32
    %dma_start3A_58 = arith.constant 0 : i32
    %dma_start3A_59 = tpu.memref_slice %arg6[%dma_start3A_56, %dma_start3A_57, %dma_start3A_58] : memref<2x2x120xi32, #tpu.memory_space<vmem>> -> memref<1x1x120xi32, #tpu.memory_space<vmem>>
    %dma_start3A_60 = tpu.memref_squeeze %dma_start3A_59 : memref<1x1x120xi32, #tpu.memory_space<vmem>> -> memref<120xi32, #tpu.memory_space<vmem>>
    %dma_start3A_61 = arith.constant 0 : i32
    %dma_start3A_62 = arith.constant 0 : i32
    %dma_start3A_63 = tpu.memref_slice %arg2[%dma_start3A_61, %dma_start3A_62] : memref<20000x128xf32, #tpu.memory_space<hbm>> -> memref<20000x128xf32, #tpu.memory_space<hbm>>
    tpu.enqueue_indirect_dma source(%dma_start3A_63 : memref<20000x128xf32, #tpu.memory_space<hbm>>) target(%arg10 : memref<120x128xf32, #tpu.memory_space<vmem>>) offsets(%dma_start3A_60 : memref<120xi32, #tpu.memory_space<vmem>>) semaphore(%arg17 : memref<!tpu.dma_semaphore, #tpu.memory_space<semaphore_mem>>)
    %scan3A = arith.constant 0 : i32
    %scan3A_64 = arith.constant 0 : i32
    %scan3A_65 = arith.constant 28 : i32
    %scan3A_66 = arith.addi %scan3A_64, %scan3A_65 : i32
    %scan3A_67 = arith.constant 1 : i32
    scf.for %scan3A_82 = %scan3A_64 to %scan3A_66 step %scan3A_67  : i32 {
      %mul3A_83 = arith.constant 6 : i32
      %mul3A_84 = arith.muli %mul3A_83, %scan3A_82 : i32
      %add3A_85 = arith.constant 0 : i32
      %add3A_86 = arith.addi %mul3A_84, %add3A_85 : i32
      %dma_wait3A_87 = arith.constant 0 : i32
      %dma_wait3A_88 = arith.constant 0 : i32
      %dma_wait3A_89 = arith.constant 0 : i32
      %dma_wait3A_90 = tpu.memref_slice %arg6[%dma_wait3A_87, %dma_wait3A_88, %dma_wait3A_89] : memref<2x2x120xi32, #tpu.memory_space<vmem>> -> memref<1x1x120xi32, #tpu.memory_space<vmem>>
      %dma_wait3A_91 = tpu.memref_squeeze %dma_wait3A_90 : memref<1x1x120xi32, #tpu.memory_space<vmem>> -> memref<120xi32, #tpu.memory_space<vmem>>
      %dma_wait3A_92 = arith.constant 0 : i32
      %dma_wait3A_93 = arith.constant 0 : i32
      %dma_wait3A_94 = tpu.memref_slice %arg2[%dma_wait3A_92, %dma_wait3A_93] : memref<20000x128xf32, #tpu.memory_space<hbm>> -> memref<20000x128xf32, #tpu.memory_space<hbm>>
      tpu.wait_indirect_dma semaphore(%arg16 : memref<!tpu.dma_semaphore, #tpu.memory_space<semaphore_mem>>) src(%dma_wait3A_94 : memref<20000x128xf32, #tpu.memory_space<hbm>>) dst(%arg9 : memref<120x128xf32, #tpu.memory_space<vmem>>)
      %ge3A = arith.constant 1 : i32
      %ge3A_95 = arith.cmpi sge, %add3A_86, %ge3A : i32
      %convert_element_type3A = arith.extui %ge3A_95 : i1 to i32
      %cond3A = arith.constant 0 : i32
      %cond3A_96 = arith.cmpi ne, %convert_element_type3A, %cond3A : i32
      scf.if %cond3A_96 {
        %dma_wait3A_301 = arith.constant 1 : i32
        %dma_wait3A_302 = arith.constant 1 : i32
        %dma_wait3A_303 = arith.constant 0 : i32
        %dma_wait3A_304 = tpu.memref_slice %arg8[%dma_wait3A_301, %dma_wait3A_302, %dma_wait3A_303] : memref<2x2x120xi32, #tpu.memory_space<vmem>> -> memref<1x1x120xi32, #tpu.memory_space<vmem>>
        %dma_wait3A_305 = tpu.memref_squeeze %dma_wait3A_304 : memref<1x1x120xi32, #tpu.memory_space<vmem>> -> memref<120xi32, #tpu.memory_space<vmem>>
        %dma_wait3A_306 = arith.constant 0 : i32
        %dma_wait3A_307 = arith.constant 0 : i32
        %dma_wait3A_308 = tpu.memref_slice %arg12[%dma_wait3A_306, %dma_wait3A_307] : memref<10112x128xf32, #tpu.memory_space<vmem_shared>> -> memref<10112x128xf32, #tpu.memory_space<vmem_shared>>
        tpu.wait_indirect_dma semaphore(%arg21 : memref<!tpu.dma_semaphore, #tpu.memory_space<semaphore_mem>>) src(%arg11 : memref<120x128xf32, #tpu.memory_space<vmem>>) dst(%dma_wait3A_308 : memref<10112x128xf32, #tpu.memory_space<vmem_shared>>)
      } else {
      }
      %add3A_97 = arith.constant 2 : i32
      %add3A_98 = arith.addi %add3A_86, %add3A_97 : i32
      %lt3A = arith.constant 168 : i32
      %lt3A_99 = arith.cmpi slt, %add3A_98, %lt3A : i32
      %convert_element_type3A_100 = arith.extui %lt3A_99 : i1 to i32
      %cond3A_101 = arith.constant 0 : i32
      %cond3A_102 = arith.cmpi ne, %convert_element_type3A_100, %cond3A_101 : i32
      scf.if %cond3A_102 {
        %jit3A = arith.constant 2 : i32
        %div3A = arith.divsi %add3A_86, %jit3A : i32
        %sign3A = arith.constant 0 : i32
        %sign3A_301 = arith.cmpi sgt, %add3A_86, %sign3A : i32
        %sign3A_302 = arith.extui %sign3A_301 : i1 to i32
        %sign3A_303 = arith.constant 0 : i32
        %sign3A_304 = arith.cmpi slt, %add3A_86, %sign3A_303 : i32
        %sign3A_305 = arith.extui %sign3A_304 : i1 to i32
        %sign3A_306 = arith.subi %sign3A_302, %sign3A_305 : i32
        %sign3A_307 = arith.constant 0 : i32
        %sign3A_308 = arith.cmpi sgt, %jit3A, %sign3A_307 : i32
        %sign3A_309 = arith.extui %sign3A_308 : i1 to i32
        %sign3A_310 = arith.constant 0 : i32
        %sign3A_311 = arith.cmpi slt, %jit3A, %sign3A_310 : i32
        %sign3A_312 = arith.extui %sign3A_311 : i1 to i32
        %sign3A_313 = arith.subi %sign3A_309, %sign3A_312 : i32
        %ne3A = arith.cmpi ne, %sign3A_306, %sign3A_313 : i32
        %rem3A = arith.remsi %add3A_86, %jit3A : i32
        %ne3A_314 = arith.constant 0 : i32
        %ne3A_315 = arith.cmpi ne, %rem3A, %ne3A_314 : i32
        %and3A = arith.andi %ne3A, %ne3A_315 : i1
        %sub3A = arith.constant 1 : i32
        %sub3A_316 = arith.subi %div3A, %sub3A : i32
        %select_n3A = arith.select %and3A, %sub3A_316, %div3A : i32
        %add3A_317 = arith.constant 1 : i32
        %add3A_318 = arith.addi %select_n3A, %add3A_317 : i32
        %add3A_319 = arith.addi %mul3A_2, %add3A_318 : i32
        %dma_wait3A_320 = arith.constant 0 : i32
        %dma_wait3A_321 = arith.constant 0 : i32
        %dma_wait3A_322 = arith.constant 0 : i32
        %dma_wait3A_323 = tpu.memref_slice %arg3[%arg0, %add3A_319, %dma_wait3A_320, %dma_wait3A_321, %dma_wait3A_322] : memref<2x1344x2x2x120xi32, #tpu.memory_space<hbm>> -> memref<1x1x2x2x120xi32, #tpu.memory_space<hbm>>
        %dma_wait3A_324 = tpu.memref_squeeze %dma_wait3A_323 : memref<1x1x2x2x120xi32, #tpu.memory_space<hbm>> -> memref<2x2x120xi32, #tpu.memory_space<hbm>>
        %dma_wait3A_325 = arith.constant 0 : i32
        %dma_wait3A_326 = arith.constant 0 : i32
        %dma_wait3A_327 = arith.constant 0 : i32
        %dma_wait3A_328 = tpu.memref_slice %arg3[%arg0, %add3A_319, %dma_wait3A_325, %dma_wait3A_326, %dma_wait3A_327] : memref<2x1344x2x2x120xi32, #tpu.memory_space<hbm>> -> memref<1x1x2x2x120xi32, #tpu.memory_space<hbm>>
        %dma_wait3A_329 = tpu.memref_squeeze %dma_wait3A_328 : memref<1x1x2x2x120xi32, #tpu.memory_space<hbm>> -> memref<2x2x120xi32, #tpu.memory_space<hbm>>
        tpu.wait_dma2 semaphore(%arg14 : memref<!tpu.dma_semaphore, #tpu.memory_space<semaphore_mem>>) src(%dma_wait3A_329 : memref<2x2x120xi32, #tpu.memory_space<hbm>>) dst(%arg7 : memref<2x2x120xi32, #tpu.memory_space<vmem>>)
        %dma_start3A_330 = arith.constant 0 : i32
        %dma_start3A_331 = arith.constant 0 : i32
        %dma_start3A_332 = arith.constant 0 : i32
        %dma_start3A_333 = tpu.memref_slice %arg7[%dma_start3A_330, %dma_start3A_331, %dma_start3A_332] : memref<2x2x120xi32, #tpu.memory_space<vmem>> -> memref<1x1x120xi32, #tpu.memory_space<vmem>>
        %dma_start3A_334 = tpu.memref_squeeze %dma_start3A_333 : memref<1x1x120xi32, #tpu.memory_space<vmem>> -> memref<120xi32, #tpu.memory_space<vmem>>
        %dma_start3A_335 = arith.constant 0 : i32
        %dma_start3A_336 = arith.constant 0 : i32
        %dma_start3A_337 = tpu.memref_slice %arg2[%dma_start3A_335, %dma_start3A_336] : memref<20000x128xf32, #tpu.memory_space<hbm>> -> memref<20000x128xf32, #tpu.memory_space<hbm>>
        tpu.enqueue_indirect_dma source(%dma_start3A_337 : memref<20000x128xf32, #tpu.memory_space<hbm>>) target(%arg11 : memref<120x128xf32, #tpu.memory_space<vmem>>) offsets(%dma_start3A_334 : memref<120xi32, #tpu.memory_space<vmem>>) semaphore(%arg18 : memref<!tpu.dma_semaphore, #tpu.memory_space<semaphore_mem>>)
      } else {
      }
      %add3A_103 = arith.constant 4 : i32
      %add3A_104 = arith.addi %add3A_86, %add3A_103 : i32
      %lt3A_105 = arith.constant 168 : i32
      %lt3A_106 = arith.cmpi slt, %add3A_104, %lt3A_105 : i32
      %convert_element_type3A_107 = arith.extui %lt3A_106 : i1 to i32
      %cond3A_108 = arith.constant 0 : i32
      %cond3A_109 = arith.cmpi ne, %convert_element_type3A_107, %cond3A_108 : i32
      scf.if %cond3A_109 {
        %jit3A = arith.constant 2 : i32
        %div3A = arith.divsi %add3A_86, %jit3A : i32
        %sign3A = arith.constant 0 : i32
        %sign3A_301 = arith.cmpi sgt, %add3A_86, %sign3A : i32
        %sign3A_302 = arith.extui %sign3A_301 : i1 to i32
        %sign3A_303 = arith.constant 0 : i32
        %sign3A_304 = arith.cmpi slt, %add3A_86, %sign3A_303 : i32
        %sign3A_305 = arith.extui %sign3A_304 : i1 to i32
        %sign3A_306 = arith.subi %sign3A_302, %sign3A_305 : i32
        %sign3A_307 = arith.constant 0 : i32
        %sign3A_308 = arith.cmpi sgt, %jit3A, %sign3A_307 : i32
        %sign3A_309 = arith.extui %sign3A_308 : i1 to i32
        %sign3A_310 = arith.constant 0 : i32
        %sign3A_311 = arith.cmpi slt, %jit3A, %sign3A_310 : i32
        %sign3A_312 = arith.extui %sign3A_311 : i1 to i32
        %sign3A_313 = arith.subi %sign3A_309, %sign3A_312 : i32
        %ne3A = arith.cmpi ne, %sign3A_306, %sign3A_313 : i32
        %rem3A = arith.remsi %add3A_86, %jit3A : i32
        %ne3A_314 = arith.constant 0 : i32
        %ne3A_315 = arith.cmpi ne, %rem3A, %ne3A_314 : i32
        %and3A = arith.andi %ne3A, %ne3A_315 : i1
        %sub3A = arith.constant 1 : i32
        %sub3A_316 = arith.subi %div3A, %sub3A : i32
        %select_n3A = arith.select %and3A, %sub3A_316, %div3A : i32
        %add3A_317 = arith.constant 2 : i32
        %add3A_318 = arith.addi %select_n3A, %add3A_317 : i32
        %add3A_319 = arith.addi %mul3A_2, %add3A_318 : i32
        %dma_start3A_320 = arith.constant 0 : i32
        %dma_start3A_321 = arith.constant 0 : i32
        %dma_start3A_322 = arith.constant 0 : i32
        %dma_start3A_323 = tpu.memref_slice %arg3[%arg0, %add3A_319, %dma_start3A_320, %dma_start3A_321, %dma_start3A_322] : memref<2x1344x2x2x120xi32, #tpu.memory_space<hbm>> -> memref<1x1x2x2x120xi32, #tpu.memory_space<hbm>>
        %dma_start3A_324 = tpu.memref_squeeze %dma_start3A_323 : memref<1x1x2x2x120xi32, #tpu.memory_space<hbm>> -> memref<2x2x120xi32, #tpu.memory_space<hbm>>
        %dma_start3A_325 = arith.constant 0 : i32
        %dma_start3A_326 = arith.constant 0 : i32
        %dma_start3A_327 = arith.constant 0 : i32
        %dma_start3A_328 = tpu.memref_slice %arg3[%arg0, %add3A_319, %dma_start3A_325, %dma_start3A_326, %dma_start3A_327] : memref<2x1344x2x2x120xi32, #tpu.memory_space<hbm>> -> memref<1x1x2x2x120xi32, #tpu.memory_space<hbm>>
        %dma_start3A_329 = tpu.memref_squeeze %dma_start3A_328 : memref<1x1x2x2x120xi32, #tpu.memory_space<hbm>> -> memref<2x2x120xi32, #tpu.memory_space<hbm>>
        tpu.enqueue_dma source(%dma_start3A_329 : memref<2x2x120xi32, #tpu.memory_space<hbm>>) target(%arg8 : memref<2x2x120xi32, #tpu.memory_space<vmem>>) target_semaphore(%arg15 : memref<!tpu.dma_semaphore, #tpu.memory_space<semaphore_mem>>)
      } else {
      }
      %dma_start3A_110 = arith.constant 0 : i32
      %dma_start3A_111 = arith.constant 1 : i32
      %dma_start3A_112 = arith.constant 0 : i32
      %dma_start3A_113 = tpu.memref_slice %arg6[%dma_start3A_110, %dma_start3A_111, %dma_start3A_112] : memref<2x2x120xi32, #tpu.memory_space<vmem>> -> memref<1x1x120xi32, #tpu.memory_space<vmem>>
      %dma_start3A_114 = tpu.memref_squeeze %dma_start3A_113 : memref<1x1x120xi32, #tpu.memory_space<vmem>> -> memref<120xi32, #tpu.memory_space<vmem>>
      %dma_start3A_115 = arith.constant 0 : i32
      %dma_start3A_116 = arith.constant 0 : i32
      %dma_start3A_117 = tpu.memref_slice %arg12[%dma_start3A_115, %dma_start3A_116] : memref<10112x128xf32, #tpu.memory_space<vmem_shared>> -> memref<10112x128xf32, #tpu.memory_space<vmem_shared>>
      tpu.enqueue_indirect_dma source(%arg9 : memref<120x128xf32, #tpu.memory_space<vmem>>) target(%dma_start3A_117 : memref<10112x128xf32, #tpu.memory_space<vmem_shared>>) offsets(%dma_start3A_114 : memref<120xi32, #tpu.memory_space<vmem>>) semaphore(%arg19 : memref<!tpu.dma_semaphore, #tpu.memory_space<semaphore_mem>>) {add = true}
      %mul3A_118 = arith.constant 6 : i32
      %mul3A_119 = arith.muli %mul3A_118, %scan3A_82 : i32
      %add3A_120 = arith.constant 1 : i32
      %add3A_121 = arith.addi %mul3A_119, %add3A_120 : i32
      %dma_wait3A_122 = arith.constant 1 : i32
      %dma_wait3A_123 = arith.constant 0 : i32
      %dma_wait3A_124 = arith.constant 0 : i32
      %dma_wait3A_125 = tpu.memref_slice %arg6[%dma_wait3A_122, %dma_wait3A_123, %dma_wait3A_124] : memref<2x2x120xi32, #tpu.memory_space<vmem>> -> memref<1x1x120xi32, #tpu.memory_space<vmem>>
      %dma_wait3A_126 = tpu.memref_squeeze %dma_wait3A_125 : memref<1x1x120xi32, #tpu.memory_space<vmem>> -> memref<120xi32, #tpu.memory_space<vmem>>
      %dma_wait3A_127 = arith.constant 0 : i32
      %dma_wait3A_128 = arith.constant 0 : i32
      %dma_wait3A_129 = tpu.memref_slice %arg2[%dma_wait3A_127, %dma_wait3A_128] : memref<20000x128xf32, #tpu.memory_space<hbm>> -> memref<20000x128xf32, #tpu.memory_space<hbm>>
      tpu.wait_indirect_dma semaphore(%arg17 : memref<!tpu.dma_semaphore, #tpu.memory_space<semaphore_mem>>) src(%dma_wait3A_129 : memref<20000x128xf32, #tpu.memory_space<hbm>>) dst(%arg10 : memref<120x128xf32, #tpu.memory_space<vmem>>)
      %dma_wait3A_130 = arith.constant 0 : i32
      %dma_wait3A_131 = arith.constant 1 : i32
      %dma_wait3A_132 = arith.constant 0 : i32
      %dma_wait3A_133 = tpu.memref_slice %arg6[%dma_wait3A_130, %dma_wait3A_131, %dma_wait3A_132] : memref<2x2x120xi32, #tpu.memory_space<vmem>> -> memref<1x1x120xi32, #tpu.memory_space<vmem>>
      %dma_wait3A_134 = tpu.memref_squeeze %dma_wait3A_133 : memref<1x1x120xi32, #tpu.memory_space<vmem>> -> memref<120xi32, #tpu.memory_space<vmem>>
      %dma_wait3A_135 = arith.constant 0 : i32
      %dma_wait3A_136 = arith.constant 0 : i32
      %dma_wait3A_137 = tpu.memref_slice %arg12[%dma_wait3A_135, %dma_wait3A_136] : memref<10112x128xf32, #tpu.memory_space<vmem_shared>> -> memref<10112x128xf32, #tpu.memory_space<vmem_shared>>
      tpu.wait_indirect_dma semaphore(%arg19 : memref<!tpu.dma_semaphore, #tpu.memory_space<semaphore_mem>>) src(%arg9 : memref<120x128xf32, #tpu.memory_space<vmem>>) dst(%dma_wait3A_137 : memref<10112x128xf32, #tpu.memory_space<vmem_shared>>)
      %add3A_138 = arith.constant 2 : i32
      %add3A_139 = arith.addi %add3A_121, %add3A_138 : i32
      %lt3A_140 = arith.constant 168 : i32
      %lt3A_141 = arith.cmpi slt, %add3A_139, %lt3A_140 : i32
      %convert_element_type3A_142 = arith.extui %lt3A_141 : i1 to i32
      %cond3A_143 = arith.constant 0 : i32
      %cond3A_144 = arith.cmpi ne, %convert_element_type3A_142, %cond3A_143 : i32
      scf.if %cond3A_144 {
        %dma_start3A_301 = arith.constant 1 : i32
        %dma_start3A_302 = arith.constant 0 : i32
        %dma_start3A_303 = arith.constant 0 : i32
        %dma_start3A_304 = tpu.memref_slice %arg7[%dma_start3A_301, %dma_start3A_302, %dma_start3A_303] : memref<2x2x120xi32, #tpu.memory_space<vmem>> -> memref<1x1x120xi32, #tpu.memory_space<vmem>>
        %dma_start3A_305 = tpu.memref_squeeze %dma_start3A_304 : memref<1x1x120xi32, #tpu.memory_space<vmem>> -> memref<120xi32, #tpu.memory_space<vmem>>
        %dma_start3A_306 = arith.constant 0 : i32
        %dma_start3A_307 = arith.constant 0 : i32
        %dma_start3A_308 = tpu.memref_slice %arg2[%dma_start3A_306, %dma_start3A_307] : memref<20000x128xf32, #tpu.memory_space<hbm>> -> memref<20000x128xf32, #tpu.memory_space<hbm>>
        tpu.enqueue_indirect_dma source(%dma_start3A_308 : memref<20000x128xf32, #tpu.memory_space<hbm>>) target(%arg9 : memref<120x128xf32, #tpu.memory_space<vmem>>) offsets(%dma_start3A_305 : memref<120xi32, #tpu.memory_space<vmem>>) semaphore(%arg16 : memref<!tpu.dma_semaphore, #tpu.memory_space<semaphore_mem>>)
      } else {
      }
      %dma_start3A_145 = arith.constant 1 : i32
      %dma_start3A_146 = arith.constant 1 : i32
      %dma_start3A_147 = arith.constant 0 : i32
      %dma_start3A_148 = tpu.memref_slice %arg6[%dma_start3A_145, %dma_start3A_146, %dma_start3A_147] : memref<2x2x120xi32, #tpu.memory_space<vmem>> -> memref<1x1x120xi32, #tpu.memory_space<vmem>>
      %dma_start3A_149 = tpu.memref_squeeze %dma_start3A_148 : memref<1x1x120xi32, #tpu.memory_space<vmem>> -> memref<120xi32, #tpu.memory_space<vmem>>
      %dma_start3A_150 = arith.constant 0 : i32
      %dma_start3A_151 = arith.constant 0 : i32
      %dma_start3A_152 = tpu.memref_slice %arg12[%dma_start3A_150, %dma_start3A_151] : memref<10112x128xf32, #tpu.memory_space<vmem_shared>> -> memref<10112x128xf32, #tpu.memory_space<vmem_shared>>
      tpu.enqueue_indirect_dma source(%arg10 : memref<120x128xf32, #tpu.memory_space<vmem>>) target(%dma_start3A_152 : memref<10112x128xf32, #tpu.memory_space<vmem_shared>>) offsets(%dma_start3A_149 : memref<120xi32, #tpu.memory_space<vmem>>) semaphore(%arg20 : memref<!tpu.dma_semaphore, #tpu.memory_space<semaphore_mem>>) {add = true}
      %mul3A_153 = arith.constant 6 : i32
      %mul3A_154 = arith.muli %mul3A_153, %scan3A_82 : i32
      %add3A_155 = arith.constant 2 : i32
      %add3A_156 = arith.addi %mul3A_154, %add3A_155 : i32
      %dma_wait3A_157 = arith.constant 0 : i32
      %dma_wait3A_158 = arith.constant 0 : i32
      %dma_wait3A_159 = arith.constant 0 : i32
      %dma_wait3A_160 = tpu.memref_slice %arg7[%dma_wait3A_157, %dma_wait3A_158, %dma_wait3A_159] : memref<2x2x120xi32, #tpu.memory_space<vmem>> -> memref<1x1x120xi32, #tpu.memory_space<vmem>>
      %dma_wait3A_161 = tpu.memref_squeeze %dma_wait3A_160 : memref<1x1x120xi32, #tpu.memory_space<vmem>> -> memref<120xi32, #tpu.memory_space<vmem>>
      %dma_wait3A_162 = arith.constant 0 : i32
      %dma_wait3A_163 = arith.constant 0 : i32
      %dma_wait3A_164 = tpu.memref_slice %arg2[%dma_wait3A_162, %dma_wait3A_163] : memref<20000x128xf32, #tpu.memory_space<hbm>> -> memref<20000x128xf32, #tpu.memory_space<hbm>>
      tpu.wait_indirect_dma semaphore(%arg18 : memref<!tpu.dma_semaphore, #tpu.memory_space<semaphore_mem>>) src(%dma_wait3A_164 : memref<20000x128xf32, #tpu.memory_space<hbm>>) dst(%arg11 : memref<120x128xf32, #tpu.memory_space<vmem>>)
      %ge3A_165 = arith.constant 1 : i32
      %ge3A_166 = arith.cmpi sge, %add3A_156, %ge3A_165 : i32
      %convert_element_type3A_167 = arith.extui %ge3A_166 : i1 to i32
      %cond3A_168 = arith.constant 0 : i32
      %cond3A_169 = arith.cmpi ne, %convert_element_type3A_167, %cond3A_168 : i32
      scf.if %cond3A_169 {
        %dma_wait3A_301 = arith.constant 1 : i32
        %dma_wait3A_302 = arith.constant 1 : i32
        %dma_wait3A_303 = arith.constant 0 : i32
        %dma_wait3A_304 = tpu.memref_slice %arg6[%dma_wait3A_301, %dma_wait3A_302, %dma_wait3A_303] : memref<2x2x120xi32, #tpu.memory_space<vmem>> -> memref<1x1x120xi32, #tpu.memory_space<vmem>>
        %dma_wait3A_305 = tpu.memref_squeeze %dma_wait3A_304 : memref<1x1x120xi32, #tpu.memory_space<vmem>> -> memref<120xi32, #tpu.memory_space<vmem>>
        %dma_wait3A_306 = arith.constant 0 : i32
        %dma_wait3A_307 = arith.constant 0 : i32
        %dma_wait3A_308 = tpu.memref_slice %arg12[%dma_wait3A_306, %dma_wait3A_307] : memref<10112x128xf32, #tpu.memory_space<vmem_shared>> -> memref<10112x128xf32, #tpu.memory_space<vmem_shared>>
        tpu.wait_indirect_dma semaphore(%arg20 : memref<!tpu.dma_semaphore, #tpu.memory_space<semaphore_mem>>) src(%arg10 : memref<120x128xf32, #tpu.memory_space<vmem>>) dst(%dma_wait3A_308 : memref<10112x128xf32, #tpu.memory_space<vmem_shared>>)
      } else {
      }
      %add3A_170 = arith.constant 2 : i32
      %add3A_171 = arith.addi %add3A_156, %add3A_170 : i32
      %lt3A_172 = arith.constant 168 : i32
      %lt3A_173 = arith.cmpi slt, %add3A_171, %lt3A_172 : i32
      %convert_element_type3A_174 = arith.extui %lt3A_173 : i1 to i32
      %cond3A_175 = arith.constant 0 : i32
      %cond3A_176 = arith.cmpi ne, %convert_element_type3A_174, %cond3A_175 : i32
      scf.if %cond3A_176 {
        %jit3A = arith.constant 2 : i32
        %div3A = arith.divsi %add3A_156, %jit3A : i32
        %sign3A = arith.constant 0 : i32
        %sign3A_301 = arith.cmpi sgt, %add3A_156, %sign3A : i32
        %sign3A_302 = arith.extui %sign3A_301 : i1 to i32
        %sign3A_303 = arith.constant 0 : i32
        %sign3A_304 = arith.cmpi slt, %add3A_156, %sign3A_303 : i32
        %sign3A_305 = arith.extui %sign3A_304 : i1 to i32
        %sign3A_306 = arith.subi %sign3A_302, %sign3A_305 : i32
        %sign3A_307 = arith.constant 0 : i32
        %sign3A_308 = arith.cmpi sgt, %jit3A, %sign3A_307 : i32
        %sign3A_309 = arith.extui %sign3A_308 : i1 to i32
        %sign3A_310 = arith.constant 0 : i32
        %sign3A_311 = arith.cmpi slt, %jit3A, %sign3A_310 : i32
        %sign3A_312 = arith.extui %sign3A_311 : i1 to i32
        %sign3A_313 = arith.subi %sign3A_309, %sign3A_312 : i32
        %ne3A = arith.cmpi ne, %sign3A_306, %sign3A_313 : i32
        %rem3A = arith.remsi %add3A_156, %jit3A : i32
        %ne3A_314 = arith.constant 0 : i32
        %ne3A_315 = arith.cmpi ne, %rem3A, %ne3A_314 : i32
        %and3A = arith.andi %ne3A, %ne3A_315 : i1
        %sub3A = arith.constant 1 : i32
        %sub3A_316 = arith.subi %div3A, %sub3A : i32
        %select_n3A = arith.select %and3A, %sub3A_316, %div3A : i32
        %add3A_317 = arith.constant 1 : i32
        %add3A_318 = arith.addi %select_n3A, %add3A_317 : i32
        %add3A_319 = arith.addi %mul3A_2, %add3A_318 : i32
        %dma_wait3A_320 = arith.constant 0 : i32
        %dma_wait3A_321 = arith.constant 0 : i32
        %dma_wait3A_322 = arith.constant 0 : i32
        %dma_wait3A_323 = tpu.memref_slice %arg3[%arg0, %add3A_319, %dma_wait3A_320, %dma_wait3A_321, %dma_wait3A_322] : memref<2x1344x2x2x120xi32, #tpu.memory_space<hbm>> -> memref<1x1x2x2x120xi32, #tpu.memory_space<hbm>>
        %dma_wait3A_324 = tpu.memref_squeeze %dma_wait3A_323 : memref<1x1x2x2x120xi32, #tpu.memory_space<hbm>> -> memref<2x2x120xi32, #tpu.memory_space<hbm>>
        %dma_wait3A_325 = arith.constant 0 : i32
        %dma_wait3A_326 = arith.constant 0 : i32
        %dma_wait3A_327 = arith.constant 0 : i32
        %dma_wait3A_328 = tpu.memref_slice %arg3[%arg0, %add3A_319, %dma_wait3A_325, %dma_wait3A_326, %dma_wait3A_327] : memref<2x1344x2x2x120xi32, #tpu.memory_space<hbm>> -> memref<1x1x2x2x120xi32, #tpu.memory_space<hbm>>
        %dma_wait3A_329 = tpu.memref_squeeze %dma_wait3A_328 : memref<1x1x2x2x120xi32, #tpu.memory_space<hbm>> -> memref<2x2x120xi32, #tpu.memory_space<hbm>>
        tpu.wait_dma2 semaphore(%arg15 : memref<!tpu.dma_semaphore, #tpu.memory_space<semaphore_mem>>) src(%dma_wait3A_329 : memref<2x2x120xi32, #tpu.memory_space<hbm>>) dst(%arg8 : memref<2x2x120xi32, #tpu.memory_space<vmem>>)
        %dma_start3A_330 = arith.constant 0 : i32
        %dma_start3A_331 = arith.constant 0 : i32
        %dma_start3A_332 = arith.constant 0 : i32
        %dma_start3A_333 = tpu.memref_slice %arg8[%dma_start3A_330, %dma_start3A_331, %dma_start3A_332] : memref<2x2x120xi32, #tpu.memory_space<vmem>> -> memref<1x1x120xi32, #tpu.memory_space<vmem>>
        %dma_start3A_334 = tpu.memref_squeeze %dma_start3A_333 : memref<1x1x120xi32, #tpu.memory_space<vmem>> -> memref<120xi32, #tpu.memory_space<vmem>>
        %dma_start3A_335 = arith.constant 0 : i32
        %dma_start3A_336 = arith.constant 0 : i32
        %dma_start3A_337 = tpu.memref_slice %arg2[%dma_start3A_335, %dma_start3A_336] : memref<20000x128xf32, #tpu.memory_space<hbm>> -> memref<20000x128xf32, #tpu.memory_space<hbm>>
        tpu.enqueue_indirect_dma source(%dma_start3A_337 : memref<20000x128xf32, #tpu.memory_space<hbm>>) target(%arg10 : memref<120x128xf32, #tpu.memory_space<vmem>>) offsets(%dma_start3A_334 : memref<120xi32, #tpu.memory_space<vmem>>) semaphore(%arg17 : memref<!tpu.dma_semaphore, #tpu.memory_space<semaphore_mem>>)
      } else {
      }
      %add3A_177 = arith.constant 4 : i32
      %add3A_178 = arith.addi %add3A_156, %add3A_177 : i32
      %lt3A_179 = arith.constant 168 : i32
      %lt3A_180 = arith.cmpi slt, %add3A_178, %lt3A_179 : i32
      %convert_element_type3A_181 = arith.extui %lt3A_180 : i1 to i32
      %cond3A_182 = arith.constant 0 : i32
      %cond3A_183 = arith.cmpi ne, %convert_element_type3A_181, %cond3A_182 : i32
      scf.if %cond3A_183 {
        %jit3A = arith.constant 2 : i32
        %div3A = arith.divsi %add3A_156, %jit3A : i32
        %sign3A = arith.constant 0 : i32
        %sign3A_301 = arith.cmpi sgt, %add3A_156, %sign3A : i32
        %sign3A_302 = arith.extui %sign3A_301 : i1 to i32
        %sign3A_303 = arith.constant 0 : i32
        %sign3A_304 = arith.cmpi slt, %add3A_156, %sign3A_303 : i32
        %sign3A_305 = arith.extui %sign3A_304 : i1 to i32
        %sign3A_306 = arith.subi %sign3A_302, %sign3A_305 : i32
        %sign3A_307 = arith.constant 0 : i32
        %sign3A_308 = arith.cmpi sgt, %jit3A, %sign3A_307 : i32
        %sign3A_309 = arith.extui %sign3A_308 : i1 to i32
        %sign3A_310 = arith.constant 0 : i32
        %sign3A_311 = arith.cmpi slt, %jit3A, %sign3A_310 : i32
        %sign3A_312 = arith.extui %sign3A_311 : i1 to i32
        %sign3A_313 = arith.subi %sign3A_309, %sign3A_312 : i32
        %ne3A = arith.cmpi ne, %sign3A_306, %sign3A_313 : i32
        %rem3A = arith.remsi %add3A_156, %jit3A : i32
        %ne3A_314 = arith.constant 0 : i32
        %ne3A_315 = arith.cmpi ne, %rem3A, %ne3A_314 : i32
        %and3A = arith.andi %ne3A, %ne3A_315 : i1
        %sub3A = arith.constant 1 : i32
        %sub3A_316 = arith.subi %div3A, %sub3A : i32
        %select_n3A = arith.select %and3A, %sub3A_316, %div3A : i32
        %add3A_317 = arith.constant 2 : i32
        %add3A_318 = arith.addi %select_n3A, %add3A_317 : i32
        %add3A_319 = arith.addi %mul3A_2, %add3A_318 : i32
        %dma_start3A_320 = arith.constant 0 : i32
        %dma_start3A_321 = arith.constant 0 : i32
        %dma_start3A_322 = arith.constant 0 : i32
        %dma_start3A_323 = tpu.memref_slice %arg3[%arg0, %add3A_319, %dma_start3A_320, %dma_start3A_321, %dma_start3A_322] : memref<2x1344x2x2x120xi32, #tpu.memory_space<hbm>> -> memref<1x1x2x2x120xi32, #tpu.memory_space<hbm>>
        %dma_start3A_324 = tpu.memref_squeeze %dma_start3A_323 : memref<1x1x2x2x120xi32, #tpu.memory_space<hbm>> -> memref<2x2x120xi32, #tpu.memory_space<hbm>>
        %dma_start3A_325 = arith.constant 0 : i32
        %dma_start3A_326 = arith.constant 0 : i32
        %dma_start3A_327 = arith.constant 0 : i32
        %dma_start3A_328 = tpu.memref_slice %arg3[%arg0, %add3A_319, %dma_start3A_325, %dma_start3A_326, %dma_start3A_327] : memref<2x1344x2x2x120xi32, #tpu.memory_space<hbm>> -> memref<1x1x2x2x120xi32, #tpu.memory_space<hbm>>
        %dma_start3A_329 = tpu.memref_squeeze %dma_start3A_328 : memref<1x1x2x2x120xi32, #tpu.memory_space<hbm>> -> memref<2x2x120xi32, #tpu.memory_space<hbm>>
        tpu.enqueue_dma source(%dma_start3A_329 : memref<2x2x120xi32, #tpu.memory_space<hbm>>) target(%arg6 : memref<2x2x120xi32, #tpu.memory_space<vmem>>) target_semaphore(%arg13 : memref<!tpu.dma_semaphore, #tpu.memory_space<semaphore_mem>>)
      } else {
      }
      %dma_start3A_184 = arith.constant 0 : i32
      %dma_start3A_185 = arith.constant 1 : i32
      %dma_start3A_186 = arith.constant 0 : i32
      %dma_start3A_187 = tpu.memref_slice %arg7[%dma_start3A_184, %dma_start3A_185, %dma_start3A_186] : memref<2x2x120xi32, #tpu.memory_space<vmem>> -> memref<1x1x120xi32, #tpu.memory_space<vmem>>
      %dma_start3A_188 = tpu.memref_squeeze %dma_start3A_187 : memref<1x1x120xi32, #tpu.memory_space<vmem>> -> memref<120xi32, #tpu.memory_space<vmem>>
      %dma_start3A_189 = arith.constant 0 : i32
      %dma_start3A_190 = arith.constant 0 : i32
      %dma_start3A_191 = tpu.memref_slice %arg12[%dma_start3A_189, %dma_start3A_190] : memref<10112x128xf32, #tpu.memory_space<vmem_shared>> -> memref<10112x128xf32, #tpu.memory_space<vmem_shared>>
      tpu.enqueue_indirect_dma source(%arg11 : memref<120x128xf32, #tpu.memory_space<vmem>>) target(%dma_start3A_191 : memref<10112x128xf32, #tpu.memory_space<vmem_shared>>) offsets(%dma_start3A_188 : memref<120xi32, #tpu.memory_space<vmem>>) semaphore(%arg21 : memref<!tpu.dma_semaphore, #tpu.memory_space<semaphore_mem>>) {add = true}
      %mul3A_192 = arith.constant 6 : i32
      %mul3A_193 = arith.muli %mul3A_192, %scan3A_82 : i32
      %add3A_194 = arith.constant 3 : i32
      %add3A_195 = arith.addi %mul3A_193, %add3A_194 : i32
      %dma_wait3A_196 = arith.constant 1 : i32
      %dma_wait3A_197 = arith.constant 0 : i32
      %dma_wait3A_198 = arith.constant 0 : i32
      %dma_wait3A_199 = tpu.memref_slice %arg7[%dma_wait3A_196, %dma_wait3A_197, %dma_wait3A_198] : memref<2x2x120xi32, #tpu.memory_space<vmem>> -> memref<1x1x120xi32, #tpu.memory_space<vmem>>
      %dma_wait3A_200 = tpu.memref_squeeze %dma_wait3A_199 : memref<1x1x120xi32, #tpu.memory_space<vmem>> -> memref<120xi32, #tpu.memory_space<vmem>>
      %dma_wait3A_201 = arith.constant 0 : i32
      %dma_wait3A_202 = arith.constant 0 : i32
      %dma_wait3A_203 = tpu.memref_slice %arg2[%dma_wait3A_201, %dma_wait3A_202] : memref<20000x128xf32, #tpu.memory_space<hbm>> -> memref<20000x128xf32, #tpu.memory_space<hbm>>
      tpu.wait_indirect_dma semaphore(%arg16 : memref<!tpu.dma_semaphore, #tpu.memory_space<semaphore_mem>>) src(%dma_wait3A_203 : memref<20000x128xf32, #tpu.memory_space<hbm>>) dst(%arg9 : memref<120x128xf32, #tpu.memory_space<vmem>>)
      %dma_wait3A_204 = arith.constant 0 : i32
      %dma_wait3A_205 = arith.constant 1 : i32
      %dma_wait3A_206 = arith.constant 0 : i32
      %dma_wait3A_207 = tpu.memref_slice %arg7[%dma_wait3A_204, %dma_wait3A_205, %dma_wait3A_206] : memref<2x2x120xi32, #tpu.memory_space<vmem>> -> memref<1x1x120xi32, #tpu.memory_space<vmem>>
      %dma_wait3A_208 = tpu.memref_squeeze %dma_wait3A_207 : memref<1x1x120xi32, #tpu.memory_space<vmem>> -> memref<120xi32, #tpu.memory_space<vmem>>
      %dma_wait3A_209 = arith.constant 0 : i32
      %dma_wait3A_210 = arith.constant 0 : i32
      %dma_wait3A_211 = tpu.memref_slice %arg12[%dma_wait3A_209, %dma_wait3A_210] : memref<10112x128xf32, #tpu.memory_space<vmem_shared>> -> memref<10112x128xf32, #tpu.memory_space<vmem_shared>>
      tpu.wait_indirect_dma semaphore(%arg21 : memref<!tpu.dma_semaphore, #tpu.memory_space<semaphore_mem>>) src(%arg11 : memref<120x128xf32, #tpu.memory_space<vmem>>) dst(%dma_wait3A_211 : memref<10112x128xf32, #tpu.memory_space<vmem_shared>>)
      %add3A_212 = arith.constant 2 : i32
      %add3A_213 = arith.addi %add3A_195, %add3A_212 : i32
      %lt3A_214 = arith.constant 168 : i32
      %lt3A_215 = arith.cmpi slt, %add3A_213, %lt3A_214 : i32
      %convert_element_type3A_216 = arith.extui %lt3A_215 : i1 to i32
      %cond3A_217 = arith.constant 0 : i32
      %cond3A_218 = arith.cmpi ne, %convert_element_type3A_216, %cond3A_217 : i32
      scf.if %cond3A_218 {
        %dma_start3A_301 = arith.constant 1 : i32
        %dma_start3A_302 = arith.constant 0 : i32
        %dma_start3A_303 = arith.constant 0 : i32
        %dma_start3A_304 = tpu.memref_slice %arg8[%dma_start3A_301, %dma_start3A_302, %dma_start3A_303] : memref<2x2x120xi32, #tpu.memory_space<vmem>> -> memref<1x1x120xi32, #tpu.memory_space<vmem>>
        %dma_start3A_305 = tpu.memref_squeeze %dma_start3A_304 : memref<1x1x120xi32, #tpu.memory_space<vmem>> -> memref<120xi32, #tpu.memory_space<vmem>>
        %dma_start3A_306 = arith.constant 0 : i32
        %dma_start3A_307 = arith.constant 0 : i32
        %dma_start3A_308 = tpu.memref_slice %arg2[%dma_start3A_306, %dma_start3A_307] : memref<20000x128xf32, #tpu.memory_space<hbm>> -> memref<20000x128xf32, #tpu.memory_space<hbm>>
        tpu.enqueue_indirect_dma source(%dma_start3A_308 : memref<20000x128xf32, #tpu.memory_space<hbm>>) target(%arg11 : memref<120x128xf32, #tpu.memory_space<vmem>>) offsets(%dma_start3A_305 : memref<120xi32, #tpu.memory_space<vmem>>) semaphore(%arg18 : memref<!tpu.dma_semaphore, #tpu.memory_space<semaphore_mem>>)
      } else {
      }
      %dma_start3A_219 = arith.constant 1 : i32
      %dma_start3A_220 = arith.constant 1 : i32
      %dma_start3A_221 = arith.constant 0 : i32
      %dma_start3A_222 = tpu.memref_slice %arg7[%dma_start3A_219, %dma_start3A_220, %dma_start3A_221] : memref<2x2x120xi32, #tpu.memory_space<vmem>> -> memref<1x1x120xi32, #tpu.memory_space<vmem>>
      %dma_start3A_223 = tpu.memref_squeeze %dma_start3A_222 : memref<1x1x120xi32, #tpu.memory_space<vmem>> -> memref<120xi32, #tpu.memory_space<vmem>>
      %dma_start3A_224 = arith.constant 0 : i32
      %dma_start3A_225 = arith.constant 0 : i32
      %dma_start3A_226 = tpu.memref_slice %arg12[%dma_start3A_224, %dma_start3A_225] : memref<10112x128xf32, #tpu.memory_space<vmem_shared>> -> memref<10112x128xf32, #tpu.memory_space<vmem_shared>>
      tpu.enqueue_indirect_dma source(%arg9 : memref<120x128xf32, #tpu.memory_space<vmem>>) target(%dma_start3A_226 : memref<10112x128xf32, #tpu.memory_space<vmem_shared>>) offsets(%dma_start3A_223 : memref<120xi32, #tpu.memory_space<vmem>>) semaphore(%arg19 : memref<!tpu.dma_semaphore, #tpu.memory_space<semaphore_mem>>) {add = true}
      %mul3A_227 = arith.constant 6 : i32
      %mul3A_228 = arith.muli %mul3A_227, %scan3A_82 : i32
      %add3A_229 = arith.constant 4 : i32
      %add3A_230 = arith.addi %mul3A_228, %add3A_229 : i32
      %dma_wait3A_231 = arith.constant 0 : i32
      %dma_wait3A_232 = arith.constant 0 : i32
      %dma_wait3A_233 = arith.constant 0 : i32
      %dma_wait3A_234 = tpu.memref_slice %arg8[%dma_wait3A_231, %dma_wait3A_232, %dma_wait3A_233] : memref<2x2x120xi32, #tpu.memory_space<vmem>> -> memref<1x1x120xi32, #tpu.memory_space<vmem>>
      %dma_wait3A_235 = tpu.memref_squeeze %dma_wait3A_234 : memref<1x1x120xi32, #tpu.memory_space<vmem>> -> memref<120xi32, #tpu.memory_space<vmem>>
      %dma_wait3A_236 = arith.constant 0 : i32
      %dma_wait3A_237 = arith.constant 0 : i32
      %dma_wait3A_238 = tpu.memref_slice %arg2[%dma_wait3A_236, %dma_wait3A_237] : memref<20000x128xf32, #tpu.memory_space<hbm>> -> memref<20000x128xf32, #tpu.memory_space<hbm>>
      tpu.wait_indirect_dma semaphore(%arg17 : memref<!tpu.dma_semaphore, #tpu.memory_space<semaphore_mem>>) src(%dma_wait3A_238 : memref<20000x128xf32, #tpu.memory_space<hbm>>) dst(%arg10 : memref<120x128xf32, #tpu.memory_space<vmem>>)
      %ge3A_239 = arith.constant 1 : i32
      %ge3A_240 = arith.cmpi sge, %add3A_230, %ge3A_239 : i32
      %convert_element_type3A_241 = arith.extui %ge3A_240 : i1 to i32
      %cond3A_242 = arith.constant 0 : i32
      %cond3A_243 = arith.cmpi ne, %convert_element_type3A_241, %cond3A_242 : i32
      scf.if %cond3A_243 {
        %dma_wait3A_301 = arith.constant 1 : i32
        %dma_wait3A_302 = arith.constant 1 : i32
        %dma_wait3A_303 = arith.constant 0 : i32
        %dma_wait3A_304 = tpu.memref_slice %arg7[%dma_wait3A_301, %dma_wait3A_302, %dma_wait3A_303] : memref<2x2x120xi32, #tpu.memory_space<vmem>> -> memref<1x1x120xi32, #tpu.memory_space<vmem>>
        %dma_wait3A_305 = tpu.memref_squeeze %dma_wait3A_304 : memref<1x1x120xi32, #tpu.memory_space<vmem>> -> memref<120xi32, #tpu.memory_space<vmem>>
        %dma_wait3A_306 = arith.constant 0 : i32
        %dma_wait3A_307 = arith.constant 0 : i32
        %dma_wait3A_308 = tpu.memref_slice %arg12[%dma_wait3A_306, %dma_wait3A_307] : memref<10112x128xf32, #tpu.memory_space<vmem_shared>> -> memref<10112x128xf32, #tpu.memory_space<vmem_shared>>
        tpu.wait_indirect_dma semaphore(%arg19 : memref<!tpu.dma_semaphore, #tpu.memory_space<semaphore_mem>>) src(%arg9 : memref<120x128xf32, #tpu.memory_space<vmem>>) dst(%dma_wait3A_308 : memref<10112x128xf32, #tpu.memory_space<vmem_shared>>)
      } else {
      }
      %add3A_244 = arith.constant 2 : i32
      %add3A_245 = arith.addi %add3A_230, %add3A_244 : i32
      %lt3A_246 = arith.constant 168 : i32
      %lt3A_247 = arith.cmpi slt, %add3A_245, %lt3A_246 : i32
      %convert_element_type3A_248 = arith.extui %lt3A_247 : i1 to i32
      %cond3A_249 = arith.constant 0 : i32
      %cond3A_250 = arith.cmpi ne, %convert_element_type3A_248, %cond3A_249 : i32
      scf.if %cond3A_250 {
        %jit3A = arith.constant 2 : i32
        %div3A = arith.divsi %add3A_230, %jit3A : i32
        %sign3A = arith.constant 0 : i32
        %sign3A_301 = arith.cmpi sgt, %add3A_230, %sign3A : i32
        %sign3A_302 = arith.extui %sign3A_301 : i1 to i32
        %sign3A_303 = arith.constant 0 : i32
        %sign3A_304 = arith.cmpi slt, %add3A_230, %sign3A_303 : i32
        %sign3A_305 = arith.extui %sign3A_304 : i1 to i32
        %sign3A_306 = arith.subi %sign3A_302, %sign3A_305 : i32
        %sign3A_307 = arith.constant 0 : i32
        %sign3A_308 = arith.cmpi sgt, %jit3A, %sign3A_307 : i32
        %sign3A_309 = arith.extui %sign3A_308 : i1 to i32
        %sign3A_310 = arith.constant 0 : i32
        %sign3A_311 = arith.cmpi slt, %jit3A, %sign3A_310 : i32
        %sign3A_312 = arith.extui %sign3A_311 : i1 to i32
        %sign3A_313 = arith.subi %sign3A_309, %sign3A_312 : i32
        %ne3A = arith.cmpi ne, %sign3A_306, %sign3A_313 : i32
        %rem3A = arith.remsi %add3A_230, %jit3A : i32
        %ne3A_314 = arith.constant 0 : i32
        %ne3A_315 = arith.cmpi ne, %rem3A, %ne3A_314 : i32
        %and3A = arith.andi %ne3A, %ne3A_315 : i1
        %sub3A = arith.constant 1 : i32
        %sub3A_316 = arith.subi %div3A, %sub3A : i32
        %select_n3A = arith.select %and3A, %sub3A_316, %div3A : i32
        %add3A_317 = arith.constant 1 : i32
        %add3A_318 = arith.addi %select_n3A, %add3A_317 : i32
        %add3A_319 = arith.addi %mul3A_2, %add3A_318 : i32
        %dma_wait3A_320 = arith.constant 0 : i32
        %dma_wait3A_321 = arith.constant 0 : i32
        %dma_wait3A_322 = arith.constant 0 : i32
        %dma_wait3A_323 = tpu.memref_slice %arg3[%arg0, %add3A_319, %dma_wait3A_320, %dma_wait3A_321, %dma_wait3A_322] : memref<2x1344x2x2x120xi32, #tpu.memory_space<hbm>> -> memref<1x1x2x2x120xi32, #tpu.memory_space<hbm>>
        %dma_wait3A_324 = tpu.memref_squeeze %dma_wait3A_323 : memref<1x1x2x2x120xi32, #tpu.memory_space<hbm>> -> memref<2x2x120xi32, #tpu.memory_space<hbm>>
        %dma_wait3A_325 = arith.constant 0 : i32
        %dma_wait3A_326 = arith.constant 0 : i32
        %dma_wait3A_327 = arith.constant 0 : i32
        %dma_wait3A_328 = tpu.memref_slice %arg3[%arg0, %add3A_319, %dma_wait3A_325, %dma_wait3A_326, %dma_wait3A_327] : memref<2x1344x2x2x120xi32, #tpu.memory_space<hbm>> -> memref<1x1x2x2x120xi32, #tpu.memory_space<hbm>>
        %dma_wait3A_329 = tpu.memref_squeeze %dma_wait3A_328 : memref<1x1x2x2x120xi32, #tpu.memory_space<hbm>> -> memref<2x2x120xi32, #tpu.memory_space<hbm>>
        tpu.wait_dma2 semaphore(%arg13 : memref<!tpu.dma_semaphore, #tpu.memory_space<semaphore_mem>>) src(%dma_wait3A_329 : memref<2x2x120xi32, #tpu.memory_space<hbm>>) dst(%arg6 : memref<2x2x120xi32, #tpu.memory_space<vmem>>)
        %dma_start3A_330 = arith.constant 0 : i32
        %dma_start3A_331 = arith.constant 0 : i32
        %dma_start3A_332 = arith.constant 0 : i32
        %dma_start3A_333 = tpu.memref_slice %arg6[%dma_start3A_330, %dma_start3A_331, %dma_start3A_332] : memref<2x2x120xi32, #tpu.memory_space<vmem>> -> memref<1x1x120xi32, #tpu.memory_space<vmem>>
        %dma_start3A_334 = tpu.memref_squeeze %dma_start3A_333 : memref<1x1x120xi32, #tpu.memory_space<vmem>> -> memref<120xi32, #tpu.memory_space<vmem>>
        %dma_start3A_335 = arith.constant 0 : i32
        %dma_start3A_336 = arith.constant 0 : i32
        %dma_start3A_337 = tpu.memref_slice %arg2[%dma_start3A_335, %dma_start3A_336] : memref<20000x128xf32, #tpu.memory_space<hbm>> -> memref<20000x128xf32, #tpu.memory_space<hbm>>
        tpu.enqueue_indirect_dma source(%dma_start3A_337 : memref<20000x128xf32, #tpu.memory_space<hbm>>) target(%arg9 : memref<120x128xf32, #tpu.memory_space<vmem>>) offsets(%dma_start3A_334 : memref<120xi32, #tpu.memory_space<vmem>>) semaphore(%arg16 : memref<!tpu.dma_semaphore, #tpu.memory_space<semaphore_mem>>)
      } else {
      }
      %add3A_251 = arith.constant 4 : i32
      %add3A_252 = arith.addi %add3A_230, %add3A_251 : i32
      %lt3A_253 = arith.constant 168 : i32
      %lt3A_254 = arith.cmpi slt, %add3A_252, %lt3A_253 : i32
      %convert_element_type3A_255 = arith.extui %lt3A_254 : i1 to i32
      %cond3A_256 = arith.constant 0 : i32
      %cond3A_257 = arith.cmpi ne, %convert_element_type3A_255, %cond3A_256 : i32
      scf.if %cond3A_257 {
        %jit3A = arith.constant 2 : i32
        %div3A = arith.divsi %add3A_230, %jit3A : i32
        %sign3A = arith.constant 0 : i32
        %sign3A_301 = arith.cmpi sgt, %add3A_230, %sign3A : i32
        %sign3A_302 = arith.extui %sign3A_301 : i1 to i32
        %sign3A_303 = arith.constant 0 : i32
        %sign3A_304 = arith.cmpi slt, %add3A_230, %sign3A_303 : i32
        %sign3A_305 = arith.extui %sign3A_304 : i1 to i32
        %sign3A_306 = arith.subi %sign3A_302, %sign3A_305 : i32
        %sign3A_307 = arith.constant 0 : i32
        %sign3A_308 = arith.cmpi sgt, %jit3A, %sign3A_307 : i32
        %sign3A_309 = arith.extui %sign3A_308 : i1 to i32
        %sign3A_310 = arith.constant 0 : i32
        %sign3A_311 = arith.cmpi slt, %jit3A, %sign3A_310 : i32
        %sign3A_312 = arith.extui %sign3A_311 : i1 to i32
        %sign3A_313 = arith.subi %sign3A_309, %sign3A_312 : i32
        %ne3A = arith.cmpi ne, %sign3A_306, %sign3A_313 : i32
        %rem3A = arith.remsi %add3A_230, %jit3A : i32
        %ne3A_314 = arith.constant 0 : i32
        %ne3A_315 = arith.cmpi ne, %rem3A, %ne3A_314 : i32
        %and3A = arith.andi %ne3A, %ne3A_315 : i1
        %sub3A = arith.constant 1 : i32
        %sub3A_316 = arith.subi %div3A, %sub3A : i32
        %select_n3A = arith.select %and3A, %sub3A_316, %div3A : i32
        %add3A_317 = arith.constant 2 : i32
        %add3A_318 = arith.addi %select_n3A, %add3A_317 : i32
        %add3A_319 = arith.addi %mul3A_2, %add3A_318 : i32
        %dma_start3A_320 = arith.constant 0 : i32
        %dma_start3A_321 = arith.constant 0 : i32
        %dma_start3A_322 = arith.constant 0 : i32
        %dma_start3A_323 = tpu.memref_slice %arg3[%arg0, %add3A_319, %dma_start3A_320, %dma_start3A_321, %dma_start3A_322] : memref<2x1344x2x2x120xi32, #tpu.memory_space<hbm>> -> memref<1x1x2x2x120xi32, #tpu.memory_space<hbm>>
        %dma_start3A_324 = tpu.memref_squeeze %dma_start3A_323 : memref<1x1x2x2x120xi32, #tpu.memory_space<hbm>> -> memref<2x2x120xi32, #tpu.memory_space<hbm>>
        %dma_start3A_325 = arith.constant 0 : i32
        %dma_start3A_326 = arith.constant 0 : i32
        %dma_start3A_327 = arith.constant 0 : i32
        %dma_start3A_328 = tpu.memref_slice %arg3[%arg0, %add3A_319, %dma_start3A_325, %dma_start3A_326, %dma_start3A_327] : memref<2x1344x2x2x120xi32, #tpu.memory_space<hbm>> -> memref<1x1x2x2x120xi32, #tpu.memory_space<hbm>>
        %dma_start3A_329 = tpu.memref_squeeze %dma_start3A_328 : memref<1x1x2x2x120xi32, #tpu.memory_space<hbm>> -> memref<2x2x120xi32, #tpu.memory_space<hbm>>
        tpu.enqueue_dma source(%dma_start3A_329 : memref<2x2x120xi32, #tpu.memory_space<hbm>>) target(%arg7 : memref<2x2x120xi32, #tpu.memory_space<vmem>>) target_semaphore(%arg14 : memref<!tpu.dma_semaphore, #tpu.memory_space<semaphore_mem>>)
      } else {
      }
      %dma_start3A_258 = arith.constant 0 : i32
      %dma_start3A_259 = arith.constant 1 : i32
      %dma_start3A_260 = arith.constant 0 : i32
      %dma_start3A_261 = tpu.memref_slice %arg8[%dma_start3A_258, %dma_start3A_259, %dma_start3A_260] : memref<2x2x120xi32, #tpu.memory_space<vmem>> -> memref<1x1x120xi32, #tpu.memory_space<vmem>>
      %dma_start3A_262 = tpu.memref_squeeze %dma_start3A_261 : memref<1x1x120xi32, #tpu.memory_space<vmem>> -> memref<120xi32, #tpu.memory_space<vmem>>
      %dma_start3A_263 = arith.constant 0 : i32
      %dma_start3A_264 = arith.constant 0 : i32
      %dma_start3A_265 = tpu.memref_slice %arg12[%dma_start3A_263, %dma_start3A_264] : memref<10112x128xf32, #tpu.memory_space<vmem_shared>> -> memref<10112x128xf32, #tpu.memory_space<vmem_shared>>
      tpu.enqueue_indirect_dma source(%arg10 : memref<120x128xf32, #tpu.memory_space<vmem>>) target(%dma_start3A_265 : memref<10112x128xf32, #tpu.memory_space<vmem_shared>>) offsets(%dma_start3A_262 : memref<120xi32, #tpu.memory_space<vmem>>) semaphore(%arg20 : memref<!tpu.dma_semaphore, #tpu.memory_space<semaphore_mem>>) {add = true}
      %mul3A_266 = arith.constant 6 : i32
      %mul3A_267 = arith.muli %mul3A_266, %scan3A_82 : i32
      %add3A_268 = arith.constant 5 : i32
      %add3A_269 = arith.addi %mul3A_267, %add3A_268 : i32
      %dma_wait3A_270 = arith.constant 1 : i32
      %dma_wait3A_271 = arith.constant 0 : i32
      %dma_wait3A_272 = arith.constant 0 : i32
      %dma_wait3A_273 = tpu.memref_slice %arg8[%dma_wait3A_270, %dma_wait3A_271, %dma_wait3A_272] : memref<2x2x120xi32, #tpu.memory_space<vmem>> -> memref<1x1x120xi32, #tpu.memory_space<vmem>>
      %dma_wait3A_274 = tpu.memref_squeeze %dma_wait3A_273 : memref<1x1x120xi32, #tpu.memory_space<vmem>> -> memref<120xi32, #tpu.memory_space<vmem>>
      %dma_wait3A_275 = arith.constant 0 : i32
      %dma_wait3A_276 = arith.constant 0 : i32
      %dma_wait3A_277 = tpu.memref_slice %arg2[%dma_wait3A_275, %dma_wait3A_276] : memref<20000x128xf32, #tpu.memory_space<hbm>> -> memref<20000x128xf32, #tpu.memory_space<hbm>>
      tpu.wait_indirect_dma semaphore(%arg18 : memref<!tpu.dma_semaphore, #tpu.memory_space<semaphore_mem>>) src(%dma_wait3A_277 : memref<20000x128xf32, #tpu.memory_space<hbm>>) dst(%arg11 : memref<120x128xf32, #tpu.memory_space<vmem>>)
      %dma_wait3A_278 = arith.constant 0 : i32
      %dma_wait3A_279 = arith.constant 1 : i32
      %dma_wait3A_280 = arith.constant 0 : i32
      %dma_wait3A_281 = tpu.memref_slice %arg8[%dma_wait3A_278, %dma_wait3A_279, %dma_wait3A_280] : memref<2x2x120xi32, #tpu.memory_space<vmem>> -> memref<1x1x120xi32, #tpu.memory_space<vmem>>
      %dma_wait3A_282 = tpu.memref_squeeze %dma_wait3A_281 : memref<1x1x120xi32, #tpu.memory_space<vmem>> -> memref<120xi32, #tpu.memory_space<vmem>>
      %dma_wait3A_283 = arith.constant 0 : i32
      %dma_wait3A_284 = arith.constant 0 : i32
      %dma_wait3A_285 = tpu.memref_slice %arg12[%dma_wait3A_283, %dma_wait3A_284] : memref<10112x128xf32, #tpu.memory_space<vmem_shared>> -> memref<10112x128xf32, #tpu.memory_space<vmem_shared>>
      tpu.wait_indirect_dma semaphore(%arg20 : memref<!tpu.dma_semaphore, #tpu.memory_space<semaphore_mem>>) src(%arg10 : memref<120x128xf32, #tpu.memory_space<vmem>>) dst(%dma_wait3A_285 : memref<10112x128xf32, #tpu.memory_space<vmem_shared>>)
      %add3A_286 = arith.constant 2 : i32
      %add3A_287 = arith.addi %add3A_269, %add3A_286 : i32
      %lt3A_288 = arith.constant 168 : i32
      %lt3A_289 = arith.cmpi slt, %add3A_287, %lt3A_288 : i32
      %convert_element_type3A_290 = arith.extui %lt3A_289 : i1 to i32
      %cond3A_291 = arith.constant 0 : i32
      %cond3A_292 = arith.cmpi ne, %convert_element_type3A_290, %cond3A_291 : i32
      scf.if %cond3A_292 {
        %dma_start3A_301 = arith.constant 1 : i32
        %dma_start3A_302 = arith.constant 0 : i32
        %dma_start3A_303 = arith.constant 0 : i32
        %dma_start3A_304 = tpu.memref_slice %arg6[%dma_start3A_301, %dma_start3A_302, %dma_start3A_303] : memref<2x2x120xi32, #tpu.memory_space<vmem>> -> memref<1x1x120xi32, #tpu.memory_space<vmem>>
        %dma_start3A_305 = tpu.memref_squeeze %dma_start3A_304 : memref<1x1x120xi32, #tpu.memory_space<vmem>> -> memref<120xi32, #tpu.memory_space<vmem>>
        %dma_start3A_306 = arith.constant 0 : i32
        %dma_start3A_307 = arith.constant 0 : i32
        %dma_start3A_308 = tpu.memref_slice %arg2[%dma_start3A_306, %dma_start3A_307] : memref<20000x128xf32, #tpu.memory_space<hbm>> -> memref<20000x128xf32, #tpu.memory_space<hbm>>
        tpu.enqueue_indirect_dma source(%dma_start3A_308 : memref<20000x128xf32, #tpu.memory_space<hbm>>) target(%arg10 : memref<120x128xf32, #tpu.memory_space<vmem>>) offsets(%dma_start3A_305 : memref<120xi32, #tpu.memory_space<vmem>>) semaphore(%arg17 : memref<!tpu.dma_semaphore, #tpu.memory_space<semaphore_mem>>)
      } else {
      }
      %dma_start3A_293 = arith.constant 1 : i32
      %dma_start3A_294 = arith.constant 1 : i32
      %dma_start3A_295 = arith.constant 0 : i32
      %dma_start3A_296 = tpu.memref_slice %arg8[%dma_start3A_293, %dma_start3A_294, %dma_start3A_295] : memref<2x2x120xi32, #tpu.memory_space<vmem>> -> memref<1x1x120xi32, #tpu.memory_space<vmem>>
      %dma_start3A_297 = tpu.memref_squeeze %dma_start3A_296 : memref<1x1x120xi32, #tpu.memory_space<vmem>> -> memref<120xi32, #tpu.memory_space<vmem>>
      %dma_start3A_298 = arith.constant 0 : i32
      %dma_start3A_299 = arith.constant 0 : i32
      %dma_start3A_300 = tpu.memref_slice %arg12[%dma_start3A_298, %dma_start3A_299] : memref<10112x128xf32, #tpu.memory_space<vmem_shared>> -> memref<10112x128xf32, #tpu.memory_space<vmem_shared>>
      tpu.enqueue_indirect_dma source(%arg11 : memref<120x128xf32, #tpu.memory_space<vmem>>) target(%dma_start3A_300 : memref<10112x128xf32, #tpu.memory_space<vmem_shared>>) offsets(%dma_start3A_297 : memref<120xi32, #tpu.memory_space<vmem>>) semaphore(%arg21 : memref<!tpu.dma_semaphore, #tpu.memory_space<semaphore_mem>>) {add = true}
    }
    %scan3A_68 = arith.constant 28 : i32
    %dma_wait3A_69 = arith.constant 1 : i32
    %dma_wait3A_70 = arith.constant 1 : i32
    %dma_wait3A_71 = arith.constant 0 : i32
    %dma_wait3A_72 = tpu.memref_slice %arg8[%dma_wait3A_69, %dma_wait3A_70, %dma_wait3A_71] : memref<2x2x120xi32, #tpu.memory_space<vmem>> -> memref<1x1x120xi32, #tpu.memory_space<vmem>>
    %dma_wait3A_73 = tpu.memref_squeeze %dma_wait3A_72 : memref<1x1x120xi32, #tpu.memory_space<vmem>> -> memref<120xi32, #tpu.memory_space<vmem>>
    %dma_wait3A_74 = arith.constant 0 : i32
    %dma_wait3A_75 = arith.constant 0 : i32
    %dma_wait3A_76 = tpu.memref_slice %arg12[%dma_wait3A_74, %dma_wait3A_75] : memref<10112x128xf32, #tpu.memory_space<vmem_shared>> -> memref<10112x128xf32, #tpu.memory_space<vmem_shared>>
    tpu.wait_indirect_dma semaphore(%arg21 : memref<!tpu.dma_semaphore, #tpu.memory_space<semaphore_mem>>) src(%arg11 : memref<120x128xf32, #tpu.memory_space<vmem>>) dst(%dma_wait3A_76 : memref<10112x128xf32, #tpu.memory_space<vmem_shared>>)
    %barrier3A_77 = arith.constant 0 : index
    tpu.barrier barrier_id(%barrier3A_77)
    %mul3A_78 = arith.constant 632 : i32
    %mul3A_79 = arith.muli %arg1, %mul3A_78 : i32
    %mul3A_80 = arith.constant 632 : i32
    %mul3A_81 = arith.muli %arg1, %mul3A_80 : i32
    "tpu.region"() ({
      %run_scoped3A = tpu.sem_alloc : memref<!tpu.dma_semaphore, #tpu.memory_space<semaphore_mem>>
      %dma_start3A_82 = arith.constant 0 : i32
      %dma_start3A_83 = tpu.memref_slice %arg5[%arg0, %mul3A_81, %dma_start3A_82] : memref<2x10112x128xf32, #tpu.memory_space<hbm>> -> memref<1x632x128xf32, #tpu.memory_space<hbm>>
      %dma_start3A_84 = tpu.memref_squeeze %dma_start3A_83 : memref<1x632x128xf32, #tpu.memory_space<hbm>> -> memref<632x128xf32, #tpu.memory_space<hbm>>
      %dma_start3A_85 = arith.constant 0 : i32
      %dma_start3A_86 = tpu.memref_slice %arg12[%mul3A_79, %dma_start3A_85] : memref<10112x128xf32, #tpu.memory_space<vmem_shared>> -> memref<632x128xf32, #tpu.memory_space<vmem_shared>>
      tpu.enqueue_dma source(%dma_start3A_86 : memref<632x128xf32, #tpu.memory_space<vmem_shared>>) target(%dma_start3A_84 : memref<632x128xf32, #tpu.memory_space<hbm>>) target_semaphore(%run_scoped3A : memref<!tpu.dma_semaphore, #tpu.memory_space<semaphore_mem>>)
      %dma_wait3A_87 = arith.constant 0 : i32
      %dma_wait3A_88 = tpu.memref_slice %arg5[%arg0, %mul3A_81, %dma_wait3A_87] : memref<2x10112x128xf32, #tpu.memory_space<hbm>> -> memref<1x632x128xf32, #tpu.memory_space<hbm>>
      %dma_wait3A_89 = tpu.memref_squeeze %dma_wait3A_88 : memref<1x632x128xf32, #tpu.memory_space<hbm>> -> memref<632x128xf32, #tpu.memory_space<hbm>>
      %dma_wait3A_90 = arith.constant 0 : i32
      %dma_wait3A_91 = tpu.memref_slice %arg12[%mul3A_79, %dma_wait3A_90] : memref<10112x128xf32, #tpu.memory_space<vmem_shared>> -> memref<632x128xf32, #tpu.memory_space<vmem_shared>>
      tpu.wait_dma2 semaphore(%run_scoped3A : memref<!tpu.dma_semaphore, #tpu.memory_space<semaphore_mem>>) src(%dma_wait3A_91 : memref<632x128xf32, #tpu.memory_space<vmem_shared>>) dst(%dma_wait3A_89 : memref<632x128xf32, #tpu.memory_space<hbm>>)
      tpu.yield
    }) : () -> ()
    return
  }
}

module attributes {stable_mosaic.version = 14 : i64} {
  func.func @body(%arg0: i32, %arg1: memref<2000x128xf32, #tpu.memory_space<vmem>>, %arg2: memref<128x128xf32, #tpu.memory_space<vmem>>, %arg3: memref<2000x128xf32, #tpu.memory_space<vmem>>) attributes {dimension_semantics = [#tpu.dimension_semantics<arbitrary>], iteration_bounds = array<i64: 10>, scalar_prefetch = 0 : i64, scratch_operands = 0 : i64, tpu.core_type = #tpu.core_type<tc>, window_params = [{transform_indices = @transform_0, window_bounds = array<i64: 2000, 128>}, {pipeline_mode = #tpu.pipeline_mode<synchronous>, transform_indices = @transform_1, window_bounds = array<i64: 128, 128>}, {transform_indices = @transform_2, window_bounds = array<i64: 2000, 128>}]} {
    %get3A = arith.constant 0 : index
    %get3A_0 = arith.constant 0 : index
    %get3A_1 = vector.load %arg1[%get3A, %get3A_0] : memref<2000x128xf32, #tpu.memory_space<vmem>>, vector<2000x128xf32>
    %get3A_2 = arith.constant 0 : index
    %get3A_3 = arith.constant 0 : index
    %get3A_4 = vector.load %arg2[%get3A_2, %get3A_3] : memref<128x128xf32, #tpu.memory_space<vmem>>, vector<128x128xf32>
    %dot_general3A = arith.constant dense<0.000000e+00> : vector<2000x128xf32>
    %dot_general3A_5 = tpu.matmul %get3A_1, %get3A_4, %dot_general3A {dimension_numbers = #tpu.dot_dimension_numbers<[1], [0], [0], [1], [0, 0, 1, 1], [], []>, transpose_lhs_hint = false} : vector<2000x128xf32>, vector<128x128xf32>, vector<2000x128xf32> -> vector<2000x128xf32>
    %swap3A = arith.constant 0 : index
    %swap3A_6 = arith.constant 0 : index
    %swap3A_7 = vector.load %arg3[%swap3A, %swap3A_6] : memref<2000x128xf32, #tpu.memory_space<vmem>>, vector<2000x128xf32>
    tpu.vector_store %arg3[%swap3A, %swap3A_6], %dot_general3A_5 {strides = array<i32>} : memref<2000x128xf32, #tpu.memory_space<vmem>>, vector<2000x128xf32>,
    return
  }
  func.func @transform_0(%arg0: i32) -> (i32, i32) {
    %c0_i32 = arith.constant 0 : i32
    %c0_i32_0 = arith.constant 0 : i32
    return %arg0, %c0_i32 : i32, i32
  }
  func.func @transform_1(%arg0: i32) -> (i32, i32) {
    %c0_i32 = arith.constant 0 : i32
    %c0_i32_0 = arith.constant 0 : i32
    %c0_i32_1 = arith.constant 0 : i32
    return %c0_i32, %c0_i32_0 : i32, i32
  }
  func.func @transform_2(%arg0: i32) -> (i32, i32) {
    %c0_i32 = arith.constant 0 : i32
    %c0_i32_0 = arith.constant 0 : i32
    return %arg0, %c0_i32 : i32, i32
  }
}

module attributes {stable_mosaic.version = 14 : i64} {
  func.func @body(%arg0: i32, %arg1: i32, %arg2: memref<1x1000x128xf32, #tpu.memory_space<vmem>>, %arg3: memref<128x128xf32, #tpu.memory_space<vmem>>, %arg4: memref<1x128xf32, #tpu.memory_space<vmem>>, %arg5: memref<1000x128xf32, #tpu.memory_space<vmem>>) attributes {dimension_semantics = [#tpu.dimension_semantics<arbitrary>, #tpu.dimension_semantics<arbitrary>], iteration_bounds = array<i64: 2, 10>, scalar_prefetch = 0 : i64, scratch_operands = 0 : i64, tpu.core_type = #tpu.core_type<tc>, window_params = [{transform_indices = @transform_0, window_bounds = array<i64: 1, 1000, 128>}, {pipeline_mode = #tpu.pipeline_mode<synchronous>, transform_indices = @transform_1, window_bounds = array<i64: 128, 128>}, {pipeline_mode = #tpu.pipeline_mode<synchronous>, transform_indices = @transform_2, window_bounds = array<i64: 1, 128>}, {transform_indices = @transform_3, window_bounds = array<i64: 1000, 128>}]} {
    %get3A = arith.constant 0 : index
    %get3A_0 = arith.constant 0 : index
    %get3A_1 = arith.constant 0 : index
    %get3A_2 = vector.load %arg2[%get3A, %get3A_0, %get3A_1] : memref<1x1000x128xf32, #tpu.memory_space<vmem>>, vector<1x1000x128xf32>
    %get3A_3 = vector.shape_cast %get3A_2 : vector<1x1000x128xf32> to vector<1000x128xf32>
    %get3A_4 = arith.constant 0 : index
    %get3A_5 = arith.constant 0 : index
    %get3A_6 = vector.load %arg4[%get3A_4, %get3A_5] : memref<1x128xf32, #tpu.memory_space<vmem>>, vector<1x128xf32>
    %add3A = vector.broadcast %get3A_6 : vector<1x128xf32> to vector<1000x128xf32>
    %add3A_7 = arith.addf %get3A_3, %add3A : vector<1000x128xf32>
    %mul3A = arith.constant 5.000000e-01 : f32
    %mul3A_8 = vector.broadcast %mul3A : f32 to vector<1000x128xf32>
    %mul3A_9 = arith.mulf %mul3A_8, %add3A_7 : vector<1000x128xf32>
    %mul3A_10 = arith.constant 0.707106769 : f32
    %mul3A_11 = vector.broadcast %mul3A_10 : f32 to vector<1000x128xf32>
    %mul3A_12 = arith.mulf %add3A_7, %mul3A_11 : vector<1000x128xf32>
    %erf3A = math.erf %mul3A_12 : vector<1000x128xf32>
    %add3A_13 = arith.constant 1.000000e+00 : f32
    %add3A_14 = vector.broadcast %add3A_13 : f32 to vector<1000x128xf32>
    %add3A_15 = arith.addf %add3A_14, %erf3A : vector<1000x128xf32>
    %mul3A_16 = arith.mulf %mul3A_9, %add3A_15 : vector<1000x128xf32>
    %get3A_17 = arith.constant 0 : index
    %get3A_18 = arith.constant 0 : index
    %get3A_19 = vector.load %arg3[%get3A_17, %get3A_18] : memref<128x128xf32, #tpu.memory_space<vmem>>, vector<128x128xf32>
    %dot_general3A = arith.constant dense<0.000000e+00> : vector<1000x128xf32>
    %dot_general3A_20 = tpu.matmul %mul3A_16, %get3A_19, %dot_general3A {dimension_numbers = #tpu.dot_dimension_numbers<[1], [0], [0], [1], [0, 0, 1, 1], [], []>, transpose_lhs_hint = false} : vector<1000x128xf32>, vector<128x128xf32>, vector<1000x128xf32> -> vector<1000x128xf32>
    %swap3A = arith.constant 0 : index
    %swap3A_21 = arith.constant 0 : index
    %swap3A_22 = vector.load %arg5[%swap3A, %swap3A_21] : memref<1000x128xf32, #tpu.memory_space<vmem>>, vector<1000x128xf32>
    tpu.vector_store %arg5[%swap3A, %swap3A_21], %dot_general3A_20 {strides = array<i32>} : memref<1000x128xf32, #tpu.memory_space<vmem>>, vector<1000x128xf32>,
    return
  }
  func.func @transform_0(%arg0: i32, %arg1: i32) -> (i32, i32, i32) {
    %c0_i32 = arith.constant 0 : i32
    %c0_i32_0 = arith.constant 0 : i32
    return %arg0, %arg1, %c0_i32 : i32, i32, i32
  }
  func.func @transform_1(%arg0: i32, %arg1: i32) -> (i32, i32) {
    %c0_i32 = arith.constant 0 : i32
    %c0_i32_0 = arith.constant 0 : i32
    %c0_i32_1 = arith.constant 0 : i32
    return %c0_i32, %c0_i32_0 : i32, i32
  }
  func.func @transform_2(%arg0: i32, %arg1: i32) -> (i32, i32) {
    %c0_i32 = arith.constant 0 : i32
    %c0_i32_0 = arith.constant 0 : i32
    %c0_i32_1 = arith.constant 0 : i32
    return %c0_i32, %c0_i32_0 : i32, i32
  }
  func.func @transform_3(%arg0: i32, %arg1: i32) -> (i32, i32) {
    %mul3A = arith.constant 10 : i32
    %mul3A_0 = arith.muli %mul3A, %arg0 : i32
    %add3A = arith.addi %mul3A_0, %arg1 : i32
    %c0_i32 = arith.constant 0 : i32
    %c0_i32_1 = arith.constant 0 : i32
    return %add3A, %c0_i32 : i32, i32
  }
}

module attributes {stable_mosaic.version = 14 : i64} {
  func.func @body(%arg0: i32, %arg1: memref<1x10000x128xf32, #tpu.memory_space<vmem>>, %arg2: memref<1x128xf32, #tpu.memory_space<vmem>>, %arg3: memref<1x10000x128xf32, #tpu.memory_space<vmem>>) attributes {dimension_semantics = [#tpu.dimension_semantics<arbitrary>], iteration_bounds = array<i64: 2>, scalar_prefetch = 0 : i64, scratch_operands = 0 : i64, tpu.core_type = #tpu.core_type<tc>, window_params = [{transform_indices = @transform_0, window_bounds = array<i64: 1, 10000, 128>}, {pipeline_mode = #tpu.pipeline_mode<synchronous>, transform_indices = @transform_1, window_bounds = array<i64: 1, 128>}, {transform_indices = @transform_2, window_bounds = array<i64: 1, 10000, 128>}]} {
    %get3A = arith.constant 0 : index
    %get3A_0 = arith.constant 0 : index
    %get3A_1 = arith.constant 0 : index
    %get3A_2 = vector.load %arg1[%get3A, %get3A_0, %get3A_1] : memref<1x10000x128xf32, #tpu.memory_space<vmem>>, vector<1x10000x128xf32>
    %get3A_3 = vector.shape_cast %get3A_2 : vector<1x10000x128xf32> to vector<10000x128xf32>
    %get3A_4 = arith.constant 0 : index
    %get3A_5 = arith.constant 0 : index
    %get3A_6 = vector.load %arg2[%get3A_4, %get3A_5] : memref<1x128xf32, #tpu.memory_space<vmem>>, vector<1x128xf32>
    %add3A = vector.broadcast %get3A_6 : vector<1x128xf32> to vector<10000x128xf32>
    %add3A_7 = arith.addf %get3A_3, %add3A : vector<10000x128xf32>
    %mul3A = arith.constant 5.000000e-01 : f32
    %mul3A_8 = vector.broadcast %mul3A : f32 to vector<10000x128xf32>
    %mul3A_9 = arith.mulf %mul3A_8, %add3A_7 : vector<10000x128xf32>
    %mul3A_10 = arith.constant 0.707106769 : f32
    %mul3A_11 = vector.broadcast %mul3A_10 : f32 to vector<10000x128xf32>
    %mul3A_12 = arith.mulf %add3A_7, %mul3A_11 : vector<10000x128xf32>
    %erf3A = math.erf %mul3A_12 : vector<10000x128xf32>
    %add3A_13 = arith.constant 1.000000e+00 : f32
    %add3A_14 = vector.broadcast %add3A_13 : f32 to vector<10000x128xf32>
    %add3A_15 = arith.addf %add3A_14, %erf3A : vector<10000x128xf32>
    %mul3A_16 = arith.mulf %mul3A_9, %add3A_15 : vector<10000x128xf32>
    %reduce_sum3A = arith.constant dense<0.000000e+00> : vector<128xf32>
    %reduce_sum3A_17 = vector.multi_reduction <add>, %mul3A_16, %reduce_sum3A [0] : vector<10000x128xf32> to vector<128xf32>
    %broadcast_in_dim3A = vector.shape_cast %reduce_sum3A_17 : vector<128xf32> to vector<1x128xf32>
    %div3A = arith.constant 1.000000e+04 : f32
    %div3A_18 = vector.broadcast %div3A : f32 to vector<1x128xf32>
    %div3A_19 = arith.divf %broadcast_in_dim3A, %div3A_18 : vector<1x128xf32>
    %sub3A = vector.broadcast %div3A_19 : vector<1x128xf32> to vector<10000x128xf32>
    %sub3A_20 = arith.subf %mul3A_16, %sub3A : vector<10000x128xf32>
    %mul3A_21 = arith.mulf %sub3A_20, %sub3A_20 : vector<10000x128xf32>
    %reduce_sum3A_22 = arith.constant dense<0.000000e+00> : vector<128xf32>
    %reduce_sum3A_23 = vector.multi_reduction <add>, %mul3A_21, %reduce_sum3A_22 [0] : vector<10000x128xf32> to vector<128xf32>
    %broadcast_in_dim3A_24 = vector.shape_cast %reduce_sum3A_23 : vector<128xf32> to vector<1x128xf32>
    %div3A_25 = arith.constant 9.999000e+03 : f32
    %div3A_26 = vector.broadcast %div3A_25 : f32 to vector<1x128xf32>
    %div3A_27 = arith.divf %broadcast_in_dim3A_24, %div3A_26 : vector<1x128xf32>
    %rsqrt3A = math.rsqrt %div3A_27 : vector<1x128xf32>
    %mul3A_28 = vector.broadcast %rsqrt3A : vector<1x128xf32> to vector<10000x128xf32>
    %mul3A_29 = arith.mulf %sub3A_20, %mul3A_28 : vector<10000x128xf32>
    %swap3A = arith.constant 0 : index
    %swap3A_30 = arith.constant 0 : index
    %swap3A_31 = arith.constant 0 : index
    %swap3A_32 = vector.load %arg3[%swap3A, %swap3A_30, %swap3A_31] : memref<1x10000x128xf32, #tpu.memory_space<vmem>>, vector<1x10000x128xf32>
    %swap3A_33 = vector.shape_cast %swap3A_32 : vector<1x10000x128xf32> to vector<10000x128xf32>
    %swap3A_34 = vector.shape_cast %mul3A_29 : vector<10000x128xf32> to vector<1x10000x128xf32>
    tpu.vector_store %arg3[%swap3A, %swap3A_30, %swap3A_31], %swap3A_34 {strides = array<i32>} : memref<1x10000x128xf32, #tpu.memory_space<vmem>>, vector<1x10000x128xf32>,
    return
  }
  func.func @transform_0(%arg0: i32) -> (i32, i32, i32) {
    %c0_i32 = arith.constant 0 : i32
    %c0_i32_0 = arith.constant 0 : i32
    %c0_i32_1 = arith.constant 0 : i32
    return %arg0, %c0_i32, %c0_i32_0 : i32, i32, i32
  }
  func.func @transform_1(%arg0: i32) -> (i32, i32) {
    %c0_i32 = arith.constant 0 : i32
    %c0_i32_0 = arith.constant 0 : i32
    %c0_i32_1 = arith.constant 0 : i32
    return %c0_i32, %c0_i32_0 : i32, i32
  }
  func.func @transform_2(%arg0: i32) -> (i32, i32, i32) {
    %c0_i32 = arith.constant 0 : i32
    %c0_i32_0 = arith.constant 0 : i32
    %c0_i32_1 = arith.constant 0 : i32
    return %arg0, %c0_i32, %c0_i32_0 : i32, i32, i32
  }
}

</mosaic_0001>

<sc_bundles>
// kernel: kernel.10.cloned.1.call-start
scs
__scs_entry_jumppad:
0x0: {  	(pc) =	sbr.rel $0x88, $3  }
0x1: {  	(tag) =	ssettag $0x0;
	lr =	simm.s32 $0x1  }
0x2: {  	[smem:$0x3F99] =	sst lr;
	_ =	strace $0xD0000000  }
0x3: {  	_ = 	snop  }
0x4: {  	_ = 	snop  }
0x5: {  	_ = 	snop  }
0x6: {  	_ = 	snop  }
0x7: {  	_ = 	snop  }
__scs_overlays_trampoline_lowered:
0x8: {  	[smem:$0x3FA8] =	sst s0  }
0x9: {  	[smem:$0x3FA9] =	sst s1  }
0xa: {  	[smem:$0x3FAA] =	sst s2  }
0xb: {  	[smem:$0x3FAB] =	sst s3  }
0xc: {  	[smem:$0x3FAC] =	sst s4  }
0xd: {  	[smem:$0x3FAD] =	sst s5  }
0xe: {  	[smem:$0x3FAE] =	sst s6  }
0xf: {  	[smem:$0x3FAF] =	sst s7  }
0x10: {  	[smem:$0x3FB0] =	sst s8  }
0x11: {  	[smem:$0x3FB1] =	sst s9;
	s0 =	simm.s32 @!p0 $0x0  }
0x12: {  	s1 =	sld [smem:$0x3F97];
	s0 =	simm.s32 @p0 $0x1  }
0x13: {  	[smem:$0x3FB2] =	sst s0;
	s0 =	simm.s32 @!p1 $0x0  }
0x14: {  	s2 =	sld [smem:$0x3F96];
	s0 =	simm.s32 @p1 $0x1  }
0x15: {  	[smem:$0x3FB3] =	sst s0;
	s0 =	simm.s32 @!p2 $0x0  }
0x16: {  	s3 =	sld [smem:$0x3FDB];
	s0 =	simm.s32 @p2 $0x1  }
0x17: {  	s4 =	simm.s32 $0x1BF5;
	[smem:$0x3FB5] =	sst s0  }
0x18: {  	s0 =	sld [smem:$0x3F98];
	_ =	swait.ge [sflag:s4], $0x0  }
0x19: {  	s7 =	sld [smem:$0x3F99]  }
0x1a: {  	s8 =	sadd.s32 $0xFFFFE003, lr  }
0x1b: {  	s9 =	sadd.s32 $0xFFFFFEF7, lr;
	s5 =	simm.s32 $0xFFFFFFFF;
	p2 =	slt.u32 s8, $0xFFFFF086  }
0x1c: {  	p1 =	slt.u32 s9, $0xF7A;
	s5 =	simm.s32 @!p2 $0x0  }
0x1d: {  	s5 =	simm.s32 @p1 $0x1;
	p0 =	seq.s32 s7, s2  }
0x1e: {  	s7 =	smul.u32 @!p0 $0xF7A, s2;
	p2 =	seq.s32 @!p0 s5, $0x0  }
0x1f: {  	s9 =	smul.u32 $0xF7A, s1;
	s8 =	simm.s32 @!p0 $0x1BF5;
	p2 =	por !p2, p0  }
0x20: {  	[sflag:s8] =	ssyncset.s32 @!p0 $0xFFFFF086;
	s6 =	sadd.s32 @!p0 s3, s7;
	s7 =	simm.s32 @!p0 $0x108  }
0x21: {  	s3 =	sadd.s32 s3, s9;
	s6 =	sadd.s32 @!p0 $0x88, s6;
	s7 =	simm.s32 @p2 $0x1082  }
0x22: {  	[simem:s7], [sflag:s8] =	dma.local @!p0 [hbm:s6], $0xF7A  }
0x23: {  	s9 =	sor.u32 $0xD0000000, s2;
	s6 =	simm.s32 $0x108;
	_ =	swait.ge @!p0 [sflag:s8], $0x0  }
0x24: {  	s3 =	sadd.s32 $0x88, s3;
	s6 =	simm.s32 @!p1 $0x1082;
	[sflag:s4] =	ssyncset.s32 $0xFFFFF086  }
0x25: {  	[simem:s6], [sflag:s4] =	dma.local [hbm:s3], $0xF7A  }
0x26: {  	[smem:$0x3F99] =	sst s1;
	(tag) =	ssettag s2;
	_ =	strace s9  }
0x27: {  	s1 =	sld [smem:$0x3FA9]  }
0x28: {  	s2 =	sld [smem:$0x3FAA]  }
0x29: {  	s4 =	sld [smem:$0x3FAC]  }
0x2a: {  	p0 =	seq.s32 s5, $0x0;
	s5 =	sld [smem:$0x3FAD]  }
0x2b: {  	s6 =	sld [smem:$0x3FAE]  }
0x2c: {  	s7 =	sld [smem:$0x3FAF]  }
0x2d: {  	s3 =	simm.s32 $0x108;
	s8 =	sld [smem:$0x3FB0]  }
0x2e: {  	s3 =	simm.s32 @!p0 $0x1082;
	s9 =	sld [smem:$0x3FB1]  }
0x2f: {  	lr =	sadd.s32 s0, s3;
	s0 =	sld [smem:$0x3FA8]  }
0x30: {  	s3 =	sld [smem:$0x3FAB]  }
0x31: {  	[smem:$0x3FB4] =	sst s10  }
0x32: {  	s10 =	sld [smem:$0x3FB2];
	_ =	sdelay $0x3  }
0x33: {  	p0 =	seq.s32 s10, $0x1;
	s10 =	sld [smem:$0x3FB4];
	_ =	sdelay $0x3  }
0x34: {  	[smem:$0x3FB4] =	sst s10  }
0x35: {  	s10 =	sld [smem:$0x3FB3];
	_ =	sdelay $0x3  }
0x36: {  	p1 =	seq.s32 s10, $0x1;
	s10 =	sld [smem:$0x3FB4];
	_ =	sdelay $0x3  }
0x37: {  	[smem:$0x3FB4] =	sst s10  }
0x38: {  	s10 =	sld [smem:$0x3FB5]  }
0x39: {  	_ = 	snop;
	(pc) =	sbr.ind lr, $3  }
0x3a: {  	_ = 	snop  }
0x3b: {  	_ = 	snop  }
0x3c: {  	p2 =	seq.s32 s10, $0x1;
	s10 =	sld [smem:$0x3FB4]  }
0x3d: {  	_ =	shalt  }
0x3e: {  	_ =	shalt  }
0x3f: {  	_ =	shalt  }
0x40: {  	_ =	shalt  }
0x41: {  	_ =	shalt  }
0x42: {  	_ =	shalt  }
0x43: {  	_ =	shalt  }
0x44: {  	_ =	shalt  }
0x45: {  	_ =	shalt  }
0x46: {  	_ =	shalt  }
0x47: {  	_ =	shalt  }
0x48: {  	_ =	shalt  }
0x49: {  	_ =	shalt  }
0x4a: {  	_ =	shalt  }
0x4b: {  	_ =	shalt  }
0x4c: {  	_ =	shalt  }
0x4d: {  	_ =	shalt  }
0x4e: {  	_ =	shalt  }
0x4f: {  	_ =	shalt  }
0x50: {  	_ =	shalt  }
0x51: {  	_ =	shalt  }
0x52: {  	_ =	shalt  }
0x53: {  	_ =	shalt  }
0x54: {  	_ =	shalt  }
0x55: {  	_ =	shalt  }
0x56: {  	_ =	shalt  }
0x57: {  	_ =	shalt  }
0x58: {  	_ =	shalt  }
0x59: {  	_ =	shalt  }
0x5a: {  	_ =	shalt  }
0x5b: {  	_ =	shalt  }
0x5c: {  	_ =	shalt  }
0x5d: {  	_ =	shalt  }
0x5e: {  	_ =	shalt  }
0x5f: {  	_ =	shalt  }
0x60: {  	_ =	shalt  }
0x61: {  	_ =	shalt  }
0x62: {  	_ =	shalt  }
0x63: {  	_ =	shalt  }
0x64: {  	_ =	shalt  }
0x65: {  	_ =	shalt  }
0x66: {  	_ =	shalt  }
0x67: {  	_ =	shalt  }
0x68: {  	_ =	shalt  }
0x69: {  	_ =	shalt  }
0x6a: {  	_ =	shalt  }
0x6b: {  	_ =	shalt  }
0x6c: {  	_ =	shalt  }
0x6d: {  	_ =	shalt  }
0x6e: {  	_ =	shalt  }
0x6f: {  	_ =	shalt  }
0x70: {  	_ =	shalt  }
0x71: {  	_ =	shalt  }
0x72: {  	_ =	shalt  }
0x73: {  	_ =	shalt  }
0x74: {  	_ =	shalt  }
0x75: {  	_ =	shalt  }
0x76: {  	_ =	shalt  }
0x77: {  	_ =	shalt  }
0x78: {  	_ =	shalt  }
0x79: {  	_ =	shalt  }
0x7a: {  	_ =	shalt  }
0x7b: {  	_ =	shalt  }
0x7c: {  	_ =	shalt  }
0x7d: {  	_ =	shalt  }
0x7e: {  	_ =	shalt  }
0x7f: {  	_ =	shalt  }
0x80: {  	_ =	shalt  }
0x81: {  	_ =	shalt  }
0x82: {  	_ =	shalt  }
0x83: {  	_ =	shalt  }
0x84: {  	_ =	shalt  }
0x85: {  	_ =	shalt  }
0x86: {  	_ =	shalt  }
0x87: {  	_ =	shalt  }
.Lfunc_end0:
.L_simem_size_0:
called_computation.1_lowered:
.L_overlay_start_0:
0x88: {  	s2 =	sld [smem:$0x3FD9]  }
0x89: {  	s3 =	sld [smem:$0x3FFE];
	_ =	sdelay $0x1  }
0x8a: {  	s1 =	srdreg.scid  }
0x8b: {  	s0 =	sand.u32 $0x1, s1  }
0x8c: {  	s14 =	sshll.u32 s0, $0xA;
	s2 =	sadd.s32 s3, s2  }
0x8d: {  	s2 =	sadd.s32 s2, s14  }
0x8e: {  	[smem:$0x3FC0] =	sst s2  }
0x8f: {  	_ = 	snop  }
0x90: {  	s2 =	sld [smem:$0x3FD0];
	_ =	sdelay $0x2  }
0x91: {  	s15 =	simm.s32 $0xA;
	s4 =	simm.s32 $0x10  }
0x92: {  	[smem:s4], [sflag:s15] =	dma.local [hbm:s2], $0x1  }
0x93: {  	_ =	swait.eq [sflag:s15], $0x1  }
0x94: {  	[sflag:s15] =	ssyncset.done $0x0  }
0x95: {  	[sflag:s15] =	ssyncadd.s32 $0xFFFFFFFF  }
0x96: {  	s16 =	sld [smem:$0x10];
	(tm) =	ssettm $0x1  }
0x97: {  	s17 =	sld [smem:$0x3FFB];
	_ =	sdelay $0x3  }
0x98: {  	_ =	strace s17  }
0x99: {  	s3 =	sld [smem:$0x3FFC];
	_ =	sdelay $0x3  }
0x9a: {  	_ =	strace s3  }
0x9b: {  	s3 =	sld [smem:$0x3FFD];
	_ =	sdelay $0x3  }
0x9c: {  	_ =	strace s3  }
0x9d: {  	_ =	strace $0x8FFFFFFF  }
0x9e: {  	s18 =	sld [smem:$0x3FDB];
	_ =	sdelay $0x1  }
0x9f: {  	s19 =	simm.s32 $_scs_section_size  }
0xa0: {  	s5 =	simm.s32 $_size__tile_overlayer_lowered;
	s6 =	simm.s32 $_tile_overlayer_lowered  }
0xa1: {  	s22 =	simm.s32 $0x1BFF;
	s21 =	sshll.u32 s6, $0x1;
	s3 =	sadd.s32 s19, s18  }
0xa2: {  	s7 =	simm.s32 $0x0;
	s20 =	sshll.u32 s5, $0x1;
	s5 =	sadd.s32 s21, s3  }
0xa3: {  	[timem:s7], [sflag:s22] =	dma.local [hbm:s5], s20  }
0xa4: {  	_ =	swait.ge [sflag:s22], s20  }
0xa5: {  	s4 =	ssub.s32 $0x0, s20;
	[sflag:s22] =	ssyncset.done $0x0  }
0xa6: {  	[sflag:s22] =	ssyncadd.s32 s4;
	_ =	sdelay $0x1  }
0xa7: {  	s23 =	simm.s32 $0x1B8B  }
0xa8: {  	_ =	swait.ge [sflag:s23], $0x1  }
0xa9: {  	[sflag:s23] =	ssyncset.done $0x0  }
0xaa: {  	s25 =	simm.s32 $0x1B8E;
	s24 =	sld [smem:$0x3FFE];
	[sflag:s23] =	ssyncadd.s32 $0xFFFFFFFF  }
0xab: {  	s26 =	simm.s32 $execute0_lowered;
	[smem:$0x3FD2] =	sst s25  }
0xac: {  	s5 =	sshll.u32 s26, $0x1;
	_ =	strace $0x80000049;
	[dreg:$0x1] =	wrdreg $0xFFFFFFFF  }
0xad: {  	s28 =	simm.s32 $_size_execute0_lowered;
	s3 =	sadd.s32 s3, s5;
	[dreg:$0x0] =	wrdreg $0x0  }
0xae: {  	s5 =	sshll.u32 s28, $0x1;
	[dreg:$0x2] =	wrdreg s3  }
0xaf: {  	[dreg:$0x3] =	wrdreg s5  }
0xb0: {  	[dreg:$0x4] =	wrdreg $0xC0  }
0xb1: {  	_ =	task [dreg:s7], $0x5FFFF  }
0xb2: {  	[dreg:$0x1] =	wrdreg $0xFFFFFFFF  }
0xb3: {  	[dreg:$0x0] =	wrdreg $0x60  }
0xb4: {  	[dreg:$0x2] =	wrdreg s24  }
0xb5: {  	[dreg:$0x3] =	wrdreg s16  }
0xb6: {  	[dreg:$0x4] =	wrdreg $0xBA000  }
0xb7: {  	[dreg:$0x5] =	wrdreg $0x9  }
0xb8: {  	_ =	task.clear_ibuf [dreg:s7], $0x6FFFF;
	_ =	strace $0x90000049  }
0xb9: {  	s29 =	simm.s32 $0x9;
	_ =	strace $0x8000004B  }
0xba: {  	_ =	swait.ge [sflag:s29], $0x1  }
0xbb: {  	[sflag:s29] =	ssyncadd.s32 $0xFFFFFFFF  }
0xbc: {  	_ =	strace $0x9000004B  }
0xbd: {  	_ =	sfence  }
0xbe: {  	s30 =	sld [smem:$0x0];
	_ =	sdelay $0x2  }
0xbf: {  	s31 =	sshll.u32 s1, $0xD;
	s1 =	sshrl.u32 s1, $0x2  }
0xc0: {  	s3 =	sand.u32 $0x4000, s31;
	s1 =	sadd.s32 s1, s30  }
0xc1: {  	s0 =	sor.u32 s3, s0;
	s1 =	sshll.u32 s1, $0x11  }
0xc2: {  	s0 =	sor.u32 s1, s0  }
0xc3: {  	s0 =	sadd.s32 $0x8F2B, s0  }
0xc4: {  	[sflag:s0] =	ssyncadd.remote.s32 $0x1  }
0xc5: {  	_ =	sfence.sel $0xFFFF  }
0xc6: {  	[dreg:$0x0] =	wrdreg $0xFFFFFFFF;
	(pc) =	sbr.abs _section_cstart, $3  }
0xc7: {  	[dreg:$0x1] =	wrdreg $0xFFFFFFFF  }
0xc8: {  	_ =	task.clear_ibuf [dreg:s7], $0x2FFFF;
	_ =	strace $0x9FFFFFFF  }
0xc9: {  	(tm) =	ssettm $0x7FFFFFFF  }
tec
execute0_lowered:
.L_overlay_start_1:
0x0: {  	(tag) =	ssettag $0x1  }
0x1: {  	s0 =	rddreg [dreg:$0x0]  }
0x2: {  	s2 =	rddreg [dreg:$0x2]  }
0x3: {  	s1 =	srdreg.scid;
	s4 =	simm.s32 $0x0;
	s11 =	stileid.u32  }
0x4: {  	s16 =	simm.s32 $0x200;
	s17 =	simm.s32 $0x400;
	s28 =	simm.s32 $0x5  }
0x5: {  	s29 =	simm.s32 $0x7;
	s30 =	simm.s32 $0x300;
	s31 =	simm.s32 $0x180  }
0x6: {  	s14 =	simm.s32 $0x580;
	s15 =	simm.s32 $0x0;
	s6 =	smul.u32 $0x13C00, s11  }
0x7: {  	s1 =	sand.u32 $0x1, s1;
	[smem:$0x7FF] =	sst s4;
	s7 =	smul.u32 $0x4F000, s11  }
0x8: {  	s5 =	sadd.s32 $0x2C000, s0;
	s9 =	smul.u32 $0xA800, s11;
	s10 =	sadd.s32 $0x2000, s0  }
0x9: {  	s21 =	sshll.u32 s11, $0x6;
	s11 =	simm.s32 $0x380;
	s3 =	smul.u32 $0x13C000, s1  }
0xa: {  	_ =	strace $0x8000004A;
	s18 =	ssub.s32 $0x2, s1;
	s1 =	smul.u32 $0xA8000, s1  }
0xb: {  	s21 =	sor.u32 $0x1C0A, s21;
	[dreg:$0xa] =	wrdreg s15;
	s8 =	sshrl.u32 s18, $0x1  }
0xc: {  	s20 =	sshrl.u32 s7, $0x2;
	[dreg:$0x4] =	wrdreg s21;
	s3 =	sadd.s32 s6, s3  }
0xd: {  	s19 =	ssub.s32 s18, s8;
	s1 =	sadd.s32 s9, s1;
	s6 =	sadd.s32 s20, s2  }
0xe: {  	s18 =	simm.s32 $0x1;
	s20 =	simm.s32 $0x600;
	s3 =	sshrl.u32 s3, $0x3  }
0xf: {  	s22 =	sor.u32 $0x200, s1;
	s23 =	sshrl.u32 s1, $0x3;
	s9 =	sor.u32 $0x400, s1  }
0x10: {  	s25 =	sadd.s32 $0x800, s1;
	s1 =	sor.u32 $0x600, s1;
	s0 =	sadd.s32 s3, s0  }
0x11: {  	s7 =	sshrl.u32 s22, $0x3;
	s8 =	sadd.s32 s10, s23;
	s24 =	sshrl.u32 s9, $0x3  }
0x12: {  	s26 =	sshrl.u32 s25, $0x3;
	s1 =	sshrl.u32 s1, $0x3;
	s3 =	smax.u32 s19, $0x1  }
0x13: {  	s19 =	simm.s32 $0x78;
	s22 =	simm.s32 $0x4200;
	s23 =	simm.s32 $0x4  }
0x14: {  	s25 =	simm.s32 $0x7E00;
	[dreg:$0x5] =	wrdreg s8;
	s7 =	sadd.s32 s10, s7  }
0x15: {  	s9 =	sadd.s32 s10, s24;
	s0 =	sadd.s32 $0x7A200, s0;
	[dreg:$0x8] =	wrdreg s3  }
.Ltmp0:
0x16: {  	s12 =	sadd.s32 s26, s10;
	s13 =	sadd.s32 s1, s10;
	(pc) =	sbr.rel .LBB2_1-.Ltmp0, $4  }
0x17: {  	s26 =	sshrl.u32 s6, $0x3;
	s24 =	simm.s32 $0x2;
	s3 =	simm.s32 $0x8  }
0x18: {  	s1 =	simm.s32 $0x3;
	s8 =	simm.s32 $0x9;
	[dreg:$0x6] =	wrdreg s7  }
0x19: {  	s10 =	simm.s32 $0x500;
	s6 =	simm.s32 $0x480;
	[dreg:$0x7] =	wrdreg s0  }
0x1a: {  	s0 =	simm.s32 $0x6;
	s7 =	simm.s32 $0x280;
	[dreg:$0x9] =	wrdreg s26  }
.LBB2_4:
0x1b: {  	[spmem:s2] =	stream.indirect.scatter.add.f32 [tilespmem:s22], [sflag:$0x8], $0x80, s6, s19, $0xb8;
	[tilespmem:$0x1F600] =	vst v63  }
0x1c: {  	_ =	swait.ge [sflag:s0], $0x3C00  }
0x1d: {  	[sflag:s0] =	ssyncset.done $0x0  }
0x1e: {  	[sflag:s0] =	ssyncadd.s32 $0xFFFFC400  }
0x1f: {  	_ =	swait.ge [sflag:s3], $0x3C00  }
0x20: {  	[sflag:s3] =	ssyncset.done $0x0  }
0x21: {  	[sflag:s3] =	ssyncadd.s32 $0xFFFFC400  }
0x22: {  	[spmem:s2] =	stream.indirect.scatter.add.f32 [tilespmem:s25], [sflag:$0x9], $0x80, s14, s19, $0xb8;
	[tilespmem:$0x1F600] =	vst v63  }
0x23: {  	_ =	swait.ge [sflag:s8], $0x3C00  }
0x24: {  	[sflag:s8] =	ssyncset.done $0x0  }
0x25: {  	[sflag:s8] =	ssyncadd.s32 $0xFFFFC400  }
0x26: {  	[bflag:$0x0] =	sbarrier.arrive $0xFFFF  }
0x27: {  	s21 =	rddreg [dreg:$0x4]  }
0x28: {  	s15 =	rddreg [dreg:$0x7]  }
0x29: {  	s26 =	rddreg [dreg:$0x9]  }
0x2a: {  	[hbm:s15], [sflag:s21] =	dma.local [spmem:s26], $0x2780  }
0x2b: {  	s15 =	simm.s32 $0xA  }
0x2c: {  	_ =	swait.ge [sflag:s15], $0x2780  }
0x2d: {  	s21 =	rddreg [dreg:$0xa]  }
0x2e: {  	[sflag:s15] =	ssyncset.done $0x0;
	s15 =	rddreg [dreg:$0x8];
	s21 =	sadd.s32 $0x1, s21  }
0x2f: {  	p0 =	sne.s32 s21, s15  }
.Ltmp1:
0x30: {  	_ = 	snop;
	(pc) =	sbr.rel @!p0 .LBB2_5-.Ltmp1, $3  }
0x31: {  	_ =	sdelay $0x1  }
0x32: {  	[dreg:$0xa] =	wrdreg s21;
	s15 =	simm.s32 $0xA  }
0x33: {  	s21 =	rddreg [dreg:$0x4];
	[sflag:s15] =	ssyncadd.s32 $0xFFFFD880  }
.LBB2_1:
0x34: {  	s15 =	rddreg [dreg:$0x1]  }
0x35: {  	[spmem:s26], [sflag:s21] =	dma.local [hbm:s15], $0x2780  }
0x36: {  	s21 =	simm.s32 $0xA  }
0x37: {  	_ =	swait.ge [sflag:s21], $0x2780  }
0x38: {  	[sflag:s21] =	ssyncset.done $0x0  }
0x39: {  	[sflag:s21] =	ssyncadd.s32 $0xFFFFD880  }
0x3a: {  	[bflag:$0x0] =	sbarrier.arrive $0xFFFF  }
0x3b: {  	s26 =	rddreg [dreg:$0x5]  }
0x3c: {  	[tilespmem:s4], [sflag:$0x1] =	stream.linear.gather [hbm4b:s26+s4], $0x200, $0x38;
	[tilespmem:$0x1F600] =	vst v63  }
0x3d: {  	s21 =	rddreg [dreg:$0x6]  }
0x3e: {  	[tilespmem:s16], [sflag:$0x2] =	stream.linear.gather [hbm4b:s21+s4], $0x200, $0x38;
	[tilespmem:$0x1F600] =	vst v63  }
0x3f: {  	_ = 	snop  }
0x40: {  	[tilespmem:s17], [sflag:$0x3] =	stream.linear.gather [hbm4b:s9+s4], $0x200, $0x38;
	[tilespmem:$0x1F600] =	vst v63  }
0x41: {  	_ =	swait.ge [sflag:s18], $0x200  }
0x42: {  	[sflag:s18] =	ssyncset.done $0x0  }
0x43: {  	[sflag:s18] =	ssyncadd.s32 $0xFFFFFE00  }
0x44: {  	[tilespmem:s20], [sflag:$0x4] =	stream.indirect.gather [hbm4b:s5+s19], $0x80, s4, s19, $0xb8;
	[tilespmem:$0x1F600] =	vst v63  }
0x45: {  	s15 =	simm.s32 $0x0;
	s26 =	simm.s32 $0x100  }
0x46: {  	[tilespmem:s22], [sflag:$0x5] =	stream.indirect.gather [hbm4b:s5+s19], $0x80, s26, s19, $0xb8;
	[tilespmem:$0x1F600] =	vst v63  }
.LBB2_2:
0x47: {  	_ =	swait.ge [sflag:s23], $0x3C00  }
0x48: {  	p0 =	seq.s32 s15, $0x0;
	[sflag:s23] =	ssyncset.done $0x0  }
0x49: {  	s21 =	simm.s32 @!p0 $0x9;
	[sflag:s23] =	ssyncadd.s32 $0xFFFFC400  }
0x4a: {  	_ =	swait.ge @!p0 [sflag:s21], $0x3C00  }
0x4b: {  	[sflag:s21] =	ssyncset.done @!p0 $0x0  }
0x4c: {  	[sflag:s21] =	ssyncadd.s32 @!p0 $0xFFFFC400  }
0x4d: {  	_ =	swait.ge [sflag:s24], $0x200  }
0x4e: {  	[sflag:s24] =	ssyncset.done $0x0  }
0x4f: {  	[sflag:s24] =	ssyncadd.s32 $0xFFFFFE00  }
0x50: {  	[tilespmem:s25], [sflag:$0x6] =	stream.indirect.gather [hbm4b:s5+s19], $0x80, s16, s19, $0xb8;
	[tilespmem:$0x1F600] =	vst v63  }
0x51: {  	s26 =	sadd.s32 s15, s9  }
0x52: {  	[tilespmem:s17], [sflag:$0x3] =	stream.linear.gather [hbm4b:s26+s4], $0x200, $0x38;
	[tilespmem:$0x1F600] =	vst v63  }
0x53: {  	s26 =	simm.s32 $0x80  }
0x54: {  	[spmem:s2] =	stream.indirect.scatter.add.f32 [tilespmem:s20], [sflag:$0x7], $0x80, s26, s19, $0xb8;
	[tilespmem:$0x1F600] =	vst v63  }
0x55: {  	_ =	swait.ge [sflag:s28], $0x3C00  }
0x56: {  	[sflag:s28] =	ssyncset.done $0x0  }
0x57: {  	[sflag:s28] =	ssyncadd.s32 $0xFFFFC400  }
0x58: {  	_ =	swait.ge [sflag:s29], $0x3C00  }
0x59: {  	[sflag:s29] =	ssyncset.done $0x0  }
0x5a: {  	[sflag:s29] =	ssyncadd.s32 $0xFFFFC400  }
0x5b: {  	[tilespmem:s20], [sflag:$0x4] =	stream.indirect.gather [hbm4b:s5+s19], $0x80, s30, s19, $0xb8;
	[tilespmem:$0x1F600] =	vst v63  }
0x5c: {  	_ = 	snop  }
0x5d: {  	[spmem:s2] =	stream.indirect.scatter.add.f32 [tilespmem:s22], [sflag:$0x8], $0x80, s31, s19, $0xb8;
	[tilespmem:$0x1F600] =	vst v63  }
0x5e: {  	_ =	swait.ge [sflag:s0], $0x3C00  }
0x5f: {  	[sflag:s0] =	ssyncset.done $0x0  }
0x60: {  	[sflag:s0] =	ssyncadd.s32 $0xFFFFC400  }
0x61: {  	_ =	swait.ge [sflag:s3], $0x3C00  }
0x62: {  	[sflag:s3] =	ssyncset.done $0x0  }
0x63: {  	[sflag:s3] =	ssyncadd.s32 $0xFFFFC400  }
0x64: {  	_ =	swait.ge [sflag:s1], $0x200  }
0x65: {  	[sflag:s1] =	ssyncset.done $0x0  }
0x66: {  	p0 =	seq.s32 s15, $0x1440;
	[sflag:s1] =	ssyncadd.s32 $0xFFFFFE00  }
0x67: {  	[tilespmem:s22], [sflag:$0x5] =	stream.indirect.gather [hbm4b:s5+s19], $0x80, s17, s19, $0xb8;
	[tilespmem:$0x1F600] =	vst v63  }
0x68: {  	s21 =	sadd.s32 @!p0 s15, s13;
	s26 =	simm.s32 @!p0 $0x0  }
0x69: {  	[tilespmem:s26], [sflag:$0x1] =	stream.linear.gather @!p0 [hbm4b:s21+s26], $0x200, $0x38;
	[tilespmem:$0x1F600] =	vst v63  }
0x6a: {  	_ = 	snop  }
0x6b: {  	[spmem:s2] =	stream.indirect.scatter.add.f32 [tilespmem:s25], [sflag:$0x9], $0x80, s7, s19, $0xb8;
	[tilespmem:$0x1F600] =	vst v63  }
0x6c: {  	_ =	swait.ge [sflag:s23], $0x3C00  }
0x6d: {  	[sflag:s23] =	ssyncset.done $0x0  }
0x6e: {  	[sflag:s23] =	ssyncadd.s32 $0xFFFFC400  }
0x6f: {  	_ =	swait.ge [sflag:s8], $0x3C00  }
0x70: {  	[sflag:s8] =	ssyncset.done $0x0  }
0x71: {  	[sflag:s8] =	ssyncadd.s32 $0xFFFFC400  }
0x72: {  	[tilespmem:s25], [sflag:$0x6] =	stream.indirect.gather [hbm4b:s5+s19], $0x80, s10, s19, $0xb8;
	[tilespmem:$0x1F600] =	vst v63  }
0x73: {  	_ = 	snop  }
0x74: {  	[spmem:s2] =	stream.indirect.scatter.add.f32 [tilespmem:s20], [sflag:$0x7], $0x80, s11, s19, $0xb8;
	[tilespmem:$0x1F600] =	vst v63  }
0x75: {  	_ =	swait.ge [sflag:s28], $0x3C00  }
.Ltmp2:
0x76: {  	[sflag:s28] =	ssyncset.done $0x0;
	(pc) =	sbr.rel @p0 .LBB2_4-.Ltmp2, $4  }
0x77: {  	[sflag:s28] =	ssyncadd.s32 $0xFFFFC400  }
0x78: {  	_ =	swait.ge [sflag:s29], $0x3C00  }
0x79: {  	[sflag:s29] =	ssyncset.done $0x0  }
0x7a: {  	[sflag:s29] =	ssyncadd.s32 $0xFFFFC400  }
0x7b: {  	_ =	swait.ge [sflag:s18], $0x200  }
0x7c: {  	[sflag:s18] =	ssyncset.done $0x0  }
0x7d: {  	[sflag:s18] =	ssyncadd.s32 $0xFFFFFE00  }
0x7e: {  	[tilespmem:s20], [sflag:$0x4] =	stream.indirect.gather [hbm4b:s5+s19], $0x80, s4, s19, $0xb8;
	[tilespmem:$0x1F600] =	vst v63  }
0x7f: {  	s21 =	sadd.s32 s15, s12  }
0x80: {  	[tilespmem:s16], [sflag:$0x2] =	stream.linear.gather [hbm4b:s21+s4], $0x200, $0x38;
	[tilespmem:$0x1F600] =	vst v63  }
0x81: {  	_ = 	snop  }
0x82: {  	[spmem:s2] =	stream.indirect.scatter.add.f32 [tilespmem:s22], [sflag:$0x8], $0x80, s6, s19, $0xb8;
	[tilespmem:$0x1F600] =	vst v63  }
0x83: {  	_ =	swait.ge [sflag:s0], $0x3C00  }
0x84: {  	[sflag:s0] =	ssyncset.done $0x0  }
0x85: {  	[sflag:s0] =	ssyncadd.s32 $0xFFFFC400  }
0x86: {  	_ =	swait.ge [sflag:s3], $0x3C00  }
.Ltmp3:
0x87: {  	[sflag:s3] =	ssyncset.done $0x0;
	(pc) =	sbr.rel .LBB2_2-.Ltmp3, $4  }
0x88: {  	s26 =	simm.s32 $0x100;
	[sflag:s3] =	ssyncadd.s32 $0xFFFFC400  }
0x89: {  	[tilespmem:s22], [sflag:$0x5] =	stream.indirect.gather [hbm4b:s5+s19], $0x80, s26, s19, $0xb8;
	[tilespmem:$0x1F600] =	vst v63  }
0x8a: {  	s15 =	sadd.s32 $0xC0, s15  }
0x8b: {  	[spmem:s2] =	stream.indirect.scatter.add.f32 [tilespmem:s25], [sflag:$0x9], $0x80, s14, s19, $0xb8;
	[tilespmem:$0x1F600] =	vst v63  }
.LBB2_5:
0x8c: {  	_ =	sfence.sel $0x180000  }
0x8d: {  	[bflag:$0x0] =	sbarrier.arrive $0xFFFF  }
0x8e: {  	_ =	strace $0x9000004A  }
0x8f: {  	s0 =	stileid.u32;
	[bflag:$0x2] =	sbarrier.arrive $0xFFFF  }
0x90: {  	p0 =	sne.s32 s0, $0x0;
	s0 =	rddreg [dreg:$0x3]  }
0x91: {  	s0 =	sadd.s32 @!p0 $0x100000, s0  }
0x92: {  	[sflag:s0] =	ssyncadd.tile.s32 @!p0 $0x1;
	_ =	shalt  }
.Lfunc_end2:
_tile_overlayer_lowered:
.L_overlay_start_2:
0x93: {  	(tag) =	ssettag $0x2  }
0x94: {  	s0 =	rddreg [dreg:$0x0];
	s2 =	stileid.u32  }
0x95: {  	s1 =	rddreg [dreg:$0x1];
	p0 =	sne.s32 s2, $0x0  }
0x96: {  	s3 =	rddreg [dreg:$0x2];
	[bflag:$0x3] =	sbarrier.arrive $0xFFFF;
	s2 =	simm.s32 @!p0 $0x1C0A  }
0x97: {  	[timem:s3], [sflag:s2] =	dma.local @!p0 [hbm:s0], s1  }
0x98: {  	s0 =	simm.s32 @!p0 $0xA  }
0x99: {  	_ =	swait.ge @!p0 [sflag:s0], s1  }
0x9a: {  	s1 =	ssub.s32 @!p0 $0x0, s1;
	[sflag:s0] =	ssyncset.done @!p0 $0x0  }
0x9b: {  	[sflag:s0] =	ssyncadd.s32 @!p0 s1  }
0x9c: {  	[bflag:$0x3] =	sbarrier.arrive $0xFFFF  }
0x9d: {  	_ =	shalt  }

// kernel: kernel.7.cloned.1.call-start
scs
__scs_entry_jumppad:
0x0: {  	(pc) =	sbr.rel $0x88, $3  }
0x1: {  	(tag) =	ssettag $0x0;
	lr =	simm.s32 $0x1  }
0x2: {  	[smem:$0x3F99] =	sst lr;
	_ =	strace $0xD0000000  }
0x3: {  	_ = 	snop  }
0x4: {  	_ = 	snop  }
0x5: {  	_ = 	snop  }
0x6: {  	_ = 	snop  }
0x7: {  	_ = 	snop  }
__scs_overlays_trampoline_lowered:
0x8: {  	[smem:$0x3FA8] =	sst s0  }
0x9: {  	[smem:$0x3FA9] =	sst s1  }
0xa: {  	[smem:$0x3FAA] =	sst s2  }
0xb: {  	[smem:$0x3FAB] =	sst s3  }
0xc: {  	[smem:$0x3FAC] =	sst s4  }
0xd: {  	[smem:$0x3FAD] =	sst s5  }
0xe: {  	[smem:$0x3FAE] =	sst s6  }
0xf: {  	[smem:$0x3FAF] =	sst s7  }
0x10: {  	[smem:$0x3FB0] =	sst s8  }
0x11: {  	[smem:$0x3FB1] =	sst s9;
	s0 =	simm.s32 @!p0 $0x0  }
0x12: {  	s1 =	sld [smem:$0x3F97];
	s0 =	simm.s32 @p0 $0x1  }
0x13: {  	[smem:$0x3FB2] =	sst s0;
	s0 =	simm.s32 @!p1 $0x0  }
0x14: {  	s2 =	sld [smem:$0x3F96];
	s0 =	simm.s32 @p1 $0x1  }
0x15: {  	[smem:$0x3FB3] =	sst s0;
	s0 =	simm.s32 @!p2 $0x0  }
0x16: {  	s3 =	sld [smem:$0x3FDB];
	s0 =	simm.s32 @p2 $0x1  }
0x17: {  	s4 =	simm.s32 $0x1BF5;
	[smem:$0x3FB5] =	sst s0  }
0x18: {  	s0 =	sld [smem:$0x3F98];
	_ =	swait.ge [sflag:s4], $0x0  }
0x19: {  	s7 =	sld [smem:$0x3F99]  }
0x1a: {  	s8 =	sadd.s32 $0xFFFFE003, lr  }
0x1b: {  	s9 =	sadd.s32 $0xFFFFFEF7, lr;
	s5 =	simm.s32 $0xFFFFFFFF;
	p2 =	slt.u32 s8, $0xFFFFF086  }
0x1c: {  	p1 =	slt.u32 s9, $0xF7A;
	s5 =	simm.s32 @!p2 $0x0  }
0x1d: {  	s5 =	simm.s32 @p1 $0x1;
	p0 =	seq.s32 s7, s2  }
0x1e: {  	s7 =	smul.u32 @!p0 $0xF7A, s2;
	p2 =	seq.s32 @!p0 s5, $0x0  }
0x1f: {  	s9 =	smul.u32 $0xF7A, s1;
	s8 =	simm.s32 @!p0 $0x1BF5;
	p2 =	por !p2, p0  }
0x20: {  	[sflag:s8] =	ssyncset.s32 @!p0 $0xFFFFF086;
	s6 =	sadd.s32 @!p0 s3, s7;
	s7 =	simm.s32 @!p0 $0x108  }
0x21: {  	s3 =	sadd.s32 s3, s9;
	s6 =	sadd.s32 @!p0 $0x88, s6;
	s7 =	simm.s32 @p2 $0x1082  }
0x22: {  	[simem:s7], [sflag:s8] =	dma.local @!p0 [hbm:s6], $0xF7A  }
0x23: {  	s9 =	sor.u32 $0xD0000000, s2;
	s6 =	simm.s32 $0x108;
	_ =	swait.ge @!p0 [sflag:s8], $0x0  }
0x24: {  	s3 =	sadd.s32 $0x88, s3;
	s6 =	simm.s32 @!p1 $0x1082;
	[sflag:s4] =	ssyncset.s32 $0xFFFFF086  }
0x25: {  	[simem:s6], [sflag:s4] =	dma.local [hbm:s3], $0xF7A  }
0x26: {  	[smem:$0x3F99] =	sst s1;
	(tag) =	ssettag s2;
	_ =	strace s9  }
0x27: {  	s1 =	sld [smem:$0x3FA9]  }
0x28: {  	s2 =	sld [smem:$0x3FAA]  }
0x29: {  	s4 =	sld [smem:$0x3FAC]  }
0x2a: {  	p0 =	seq.s32 s5, $0x0;
	s5 =	sld [smem:$0x3FAD]  }
0x2b: {  	s6 =	sld [smem:$0x3FAE]  }
0x2c: {  	s7 =	sld [smem:$0x3FAF]  }
0x2d: {  	s3 =	simm.s32 $0x108;
	s8 =	sld [smem:$0x3FB0]  }
0x2e: {  	s3 =	simm.s32 @!p0 $0x1082;
	s9 =	sld [smem:$0x3FB1]  }
0x2f: {  	lr =	sadd.s32 s0, s3;
	s0 =	sld [smem:$0x3FA8]  }
0x30: {  	s3 =	sld [smem:$0x3FAB]  }
0x31: {  	[smem:$0x3FB4] =	sst s10  }
0x32: {  	s10 =	sld [smem:$0x3FB2];
	_ =	sdelay $0x3  }
0x33: {  	p0 =	seq.s32 s10, $0x1;
	s10 =	sld [smem:$0x3FB4];
	_ =	sdelay $0x3  }
0x34: {  	[smem:$0x3FB4] =	sst s10  }
0x35: {  	s10 =	sld [smem:$0x3FB3];
	_ =	sdelay $0x3  }
0x36: {  	p1 =	seq.s32 s10, $0x1;
	s10 =	sld [smem:$0x3FB4];
	_ =	sdelay $0x3  }
0x37: {  	[smem:$0x3FB4] =	sst s10  }
0x38: {  	s10 =	sld [smem:$0x3FB5]  }
0x39: {  	_ = 	snop;
	(pc) =	sbr.ind lr, $3  }
0x3a: {  	_ = 	snop  }
0x3b: {  	_ = 	snop  }
0x3c: {  	p2 =	seq.s32 s10, $0x1;
	s10 =	sld [smem:$0x3FB4]  }
0x3d: {  	_ =	shalt  }
0x3e: {  	_ =	shalt  }
0x3f: {  	_ =	shalt  }
0x40: {  	_ =	shalt  }
0x41: {  	_ =	shalt  }
0x42: {  	_ =	shalt  }
0x43: {  	_ =	shalt  }
0x44: {  	_ =	shalt  }
0x45: {  	_ =	shalt  }
0x46: {  	_ =	shalt  }
0x47: {  	_ =	shalt  }
0x48: {  	_ =	shalt  }
0x49: {  	_ =	shalt  }
0x4a: {  	_ =	shalt  }
0x4b: {  	_ =	shalt  }
0x4c: {  	_ =	shalt  }
0x4d: {  	_ =	shalt  }
0x4e: {  	_ =	shalt  }
0x4f: {  	_ =	shalt  }
0x50: {  	_ =	shalt  }
0x51: {  	_ =	shalt  }
0x52: {  	_ =	shalt  }
0x53: {  	_ =	shalt  }
0x54: {  	_ =	shalt  }
0x55: {  	_ =	shalt  }
0x56: {  	_ =	shalt  }
0x57: {  	_ =	shalt  }
0x58: {  	_ =	shalt  }
0x59: {  	_ =	shalt  }
0x5a: {  	_ =	shalt  }
0x5b: {  	_ =	shalt  }
0x5c: {  	_ =	shalt  }
0x5d: {  	_ =	shalt  }
0x5e: {  	_ =	shalt  }
0x5f: {  	_ =	shalt  }
0x60: {  	_ =	shalt  }
0x61: {  	_ =	shalt  }
0x62: {  	_ =	shalt  }
0x63: {  	_ =	shalt  }
0x64: {  	_ =	shalt  }
0x65: {  	_ =	shalt  }
0x66: {  	_ =	shalt  }
0x67: {  	_ =	shalt  }
0x68: {  	_ =	shalt  }
0x69: {  	_ =	shalt  }
0x6a: {  	_ =	shalt  }
0x6b: {  	_ =	shalt  }
0x6c: {  	_ =	shalt  }
0x6d: {  	_ =	shalt  }
0x6e: {  	_ =	shalt  }
0x6f: {  	_ =	shalt  }
0x70: {  	_ =	shalt  }
0x71: {  	_ =	shalt  }
0x72: {  	_ =	shalt  }
0x73: {  	_ =	shalt  }
0x74: {  	_ =	shalt  }
0x75: {  	_ =	shalt  }
0x76: {  	_ =	shalt  }
0x77: {  	_ =	shalt  }
0x78: {  	_ =	shalt  }
0x79: {  	_ =	shalt  }
0x7a: {  	_ =	shalt  }
0x7b: {  	_ =	shalt  }
0x7c: {  	_ =	shalt  }
0x7d: {  	_ =	shalt  }
0x7e: {  	_ =	shalt  }
0x7f: {  	_ =	shalt  }
0x80: {  	_ =	shalt  }
0x81: {  	_ =	shalt  }
0x82: {  	_ =	shalt  }
0x83: {  	_ =	shalt  }
0x84: {  	_ =	shalt  }
0x85: {  	_ =	shalt  }
0x86: {  	_ =	shalt  }
0x87: {  	_ =	shalt  }
.Lfunc_end0:
.L_simem_size_0:
called_computation_lowered:
.L_overlay_start_0:
0x88: {  	s2 =	sld [smem:$0x3FD9]  }
0x89: {  	s3 =	sld [smem:$0x3FFE];
	_ =	sdelay $0x1  }
0x8a: {  	s1 =	srdreg.scid  }
0x8b: {  	s0 =	sand.u32 $0x1, s1  }
0x8c: {  	s14 =	sshll.u32 s0, $0xA;
	s2 =	sadd.s32 s3, s2  }
0x8d: {  	s2 =	sadd.s32 s2, s14  }
0x8e: {  	[smem:$0x3FC0] =	sst s2  }
0x8f: {  	_ = 	snop  }
0x90: {  	s2 =	sld [smem:$0x3FD0];
	_ =	sdelay $0x2  }
0x91: {  	s15 =	simm.s32 $0xA;
	s4 =	simm.s32 $0x10  }
0x92: {  	[smem:s4], [sflag:s15] =	dma.local [hbm:s2], $0x1  }
0x93: {  	_ =	swait.eq [sflag:s15], $0x1  }
0x94: {  	[sflag:s15] =	ssyncset.done $0x0  }
0x95: {  	[sflag:s15] =	ssyncadd.s32 $0xFFFFFFFF  }
0x96: {  	s16 =	sld [smem:$0x10];
	(tm) =	ssettm $0x1  }
0x97: {  	s17 =	sld [smem:$0x3FFB];
	_ =	sdelay $0x3  }
0x98: {  	_ =	strace s17  }
0x99: {  	s3 =	sld [smem:$0x3FFC];
	_ =	sdelay $0x3  }
0x9a: {  	_ =	strace s3  }
0x9b: {  	s3 =	sld [smem:$0x3FFD];
	_ =	sdelay $0x3  }
0x9c: {  	_ =	strace s3  }
0x9d: {  	_ =	strace $0x8FFFFFFF  }
0x9e: {  	s18 =	sld [smem:$0x3FDB];
	_ =	sdelay $0x1  }
0x9f: {  	s19 =	simm.s32 $_scs_section_size  }
0xa0: {  	s5 =	simm.s32 $_size__tile_overlayer_lowered;
	s6 =	simm.s32 $_tile_overlayer_lowered  }
0xa1: {  	s22 =	simm.s32 $0x1BFF;
	s21 =	sshll.u32 s6, $0x1;
	s3 =	sadd.s32 s19, s18  }
0xa2: {  	s7 =	simm.s32 $0x0;
	s20 =	sshll.u32 s5, $0x1;
	s5 =	sadd.s32 s21, s3  }
0xa3: {  	[timem:s7], [sflag:s22] =	dma.local [hbm:s5], s20  }
0xa4: {  	_ =	swait.ge [sflag:s22], s20  }
0xa5: {  	s4 =	ssub.s32 $0x0, s20;
	[sflag:s22] =	ssyncset.done $0x0  }
0xa6: {  	[sflag:s22] =	ssyncadd.s32 s4;
	_ =	sdelay $0x1  }
0xa7: {  	s23 =	simm.s32 $0x1B8B  }
0xa8: {  	_ =	swait.ge [sflag:s23], $0x1  }
0xa9: {  	[sflag:s23] =	ssyncset.done $0x0  }
0xaa: {  	s25 =	simm.s32 $0x1B8E;
	s24 =	sld [smem:$0x3FFE];
	[sflag:s23] =	ssyncadd.s32 $0xFFFFFFFF  }
0xab: {  	s26 =	simm.s32 $execute0_lowered;
	[smem:$0x3FD2] =	sst s25  }
0xac: {  	s5 =	sshll.u32 s26, $0x1;
	_ =	strace $0x80000046;
	[dreg:$0x1] =	wrdreg $0xFFFFFFFF  }
0xad: {  	s28 =	simm.s32 $_size_execute0_lowered;
	s3 =	sadd.s32 s3, s5;
	[dreg:$0x0] =	wrdreg $0x0  }
0xae: {  	s5 =	sshll.u32 s28, $0x1;
	[dreg:$0x2] =	wrdreg s3  }
0xaf: {  	[dreg:$0x3] =	wrdreg s5  }
0xb0: {  	[dreg:$0x4] =	wrdreg $0xC0  }
0xb1: {  	_ =	task [dreg:s7], $0x5FFFF  }
0xb2: {  	[dreg:$0x1] =	wrdreg $0xFFFFFFFF  }
0xb3: {  	[dreg:$0x0] =	wrdreg $0x60  }
0xb4: {  	[dreg:$0x2] =	wrdreg s24  }
0xb5: {  	[dreg:$0x3] =	wrdreg s16  }
0xb6: {  	[dreg:$0x4] =	wrdreg $0xBA000  }
0xb7: {  	[dreg:$0x5] =	wrdreg $0x9  }
0xb8: {  	_ =	task.clear_ibuf [dreg:s7], $0x6FFFF;
	_ =	strace $0x90000046  }
0xb9: {  	s29 =	simm.s32 $0x9;
	_ =	strace $0x80000048  }
0xba: {  	_ =	swait.ge [sflag:s29], $0x1  }
0xbb: {  	[sflag:s29] =	ssyncadd.s32 $0xFFFFFFFF  }
0xbc: {  	_ =	strace $0x90000048  }
0xbd: {  	_ =	sfence  }
0xbe: {  	s30 =	sld [smem:$0x0];
	_ =	sdelay $0x2  }
0xbf: {  	s31 =	sshll.u32 s1, $0xD;
	s1 =	sshrl.u32 s1, $0x2  }
0xc0: {  	s3 =	sand.u32 $0x4000, s31;
	s1 =	sadd.s32 s1, s30  }
0xc1: {  	s0 =	sor.u32 s3, s0;
	s1 =	sshll.u32 s1, $0x11  }
0xc2: {  	s0 =	sor.u32 s1, s0  }
0xc3: {  	s0 =	sadd.s32 $0x8F2B, s0  }
0xc4: {  	[sflag:s0] =	ssyncadd.remote.s32 $0x1  }
0xc5: {  	_ =	sfence.sel $0xFFFF  }
0xc6: {  	[dreg:$0x0] =	wrdreg $0xFFFFFFFF;
	(pc) =	sbr.abs _section_cstart, $3  }
0xc7: {  	[dreg:$0x1] =	wrdreg $0xFFFFFFFF  }
0xc8: {  	_ =	task.clear_ibuf [dreg:s7], $0x2FFFF;
	_ =	strace $0x9FFFFFFF  }
0xc9: {  	(tm) =	ssettm $0x7FFFFFFF  }
tec
execute0_lowered:
.L_overlay_start_1:
0x0: {  	(tag) =	ssettag $0x1  }
0x1: {  	s0 =	rddreg [dreg:$0x0]  }
0x2: {  	s2 =	rddreg [dreg:$0x2]  }
0x3: {  	s1 =	srdreg.scid;
	s4 =	simm.s32 $0x0;
	s11 =	stileid.u32  }
0x4: {  	s16 =	simm.s32 $0x200;
	s17 =	simm.s32 $0x400;
	s28 =	simm.s32 $0x5  }
0x5: {  	s29 =	simm.s32 $0x7;
	s30 =	simm.s32 $0x300;
	s31 =	simm.s32 $0x180  }
0x6: {  	s14 =	simm.s32 $0x580;
	s15 =	simm.s32 $0x0;
	s6 =	smul.u32 $0x13C00, s11  }
0x7: {  	s1 =	sand.u32 $0x1, s1;
	[smem:$0x7FF] =	sst s4;
	s7 =	smul.u32 $0x4F000, s11  }
0x8: {  	s5 =	sadd.s32 $0x2C000, s0;
	s9 =	smul.u32 $0xA800, s11;
	s10 =	sadd.s32 $0x2000, s0  }
0x9: {  	s21 =	sshll.u32 s11, $0x6;
	s11 =	simm.s32 $0x380;
	s3 =	smul.u32 $0x13C000, s1  }
0xa: {  	_ =	strace $0x80000047;
	s18 =	ssub.s32 $0x2, s1;
	s1 =	smul.u32 $0xA8000, s1  }
0xb: {  	s21 =	sor.u32 $0x1C0A, s21;
	[dreg:$0xa] =	wrdreg s15;
	s8 =	sshrl.u32 s18, $0x1  }
0xc: {  	s20 =	sshrl.u32 s7, $0x2;
	[dreg:$0x4] =	wrdreg s21;
	s3 =	sadd.s32 s6, s3  }
0xd: {  	s19 =	ssub.s32 s18, s8;
	s1 =	sadd.s32 s9, s1;
	s6 =	sadd.s32 s20, s2  }
0xe: {  	s18 =	simm.s32 $0x1;
	s20 =	simm.s32 $0x600;
	s3 =	sshrl.u32 s3, $0x3  }
0xf: {  	s22 =	sor.u32 $0x200, s1;
	s23 =	sshrl.u32 s1, $0x3;
	s9 =	sor.u32 $0x400, s1  }
0x10: {  	s25 =	sadd.s32 $0x800, s1;
	s1 =	sor.u32 $0x600, s1;
	s0 =	sadd.s32 s3, s0  }
0x11: {  	s7 =	sshrl.u32 s22, $0x3;
	s8 =	sadd.s32 s10, s23;
	s24 =	sshrl.u32 s9, $0x3  }
0x12: {  	s26 =	sshrl.u32 s25, $0x3;
	s1 =	sshrl.u32 s1, $0x3;
	s3 =	smax.u32 s19, $0x1  }
0x13: {  	s19 =	simm.s32 $0x78;
	s22 =	simm.s32 $0x4200;
	s23 =	simm.s32 $0x4  }
0x14: {  	s25 =	simm.s32 $0x7E00;
	[dreg:$0x5] =	wrdreg s8;
	s7 =	sadd.s32 s10, s7  }
0x15: {  	s9 =	sadd.s32 s10, s24;
	s0 =	sadd.s32 $0x7A200, s0;
	[dreg:$0x8] =	wrdreg s3  }
.Ltmp0:
0x16: {  	s12 =	sadd.s32 s26, s10;
	s13 =	sadd.s32 s1, s10;
	(pc) =	sbr.rel .LBB2_1-.Ltmp0, $4  }
0x17: {  	s26 =	sshrl.u32 s6, $0x3;
	s24 =	simm.s32 $0x2;
	s3 =	simm.s32 $0x8  }
0x18: {  	s1 =	simm.s32 $0x3;
	s8 =	simm.s32 $0x9;
	[dreg:$0x6] =	wrdreg s7  }
0x19: {  	s10 =	simm.s32 $0x500;
	s6 =	simm.s32 $0x480;
	[dreg:$0x7] =	wrdreg s0  }
0x1a: {  	s0 =	simm.s32 $0x6;
	s7 =	simm.s32 $0x280;
	[dreg:$0x9] =	wrdreg s26  }
.LBB2_4:
0x1b: {  	[spmem:s2] =	stream.indirect.scatter.add.f32 [tilespmem:s22], [sflag:$0x8], $0x80, s6, s19, $0xb8;
	[tilespmem:$0x1F600] =	vst v63  }
0x1c: {  	_ =	swait.ge [sflag:s0], $0x3C00  }
0x1d: {  	[sflag:s0] =	ssyncset.done $0x0  }
0x1e: {  	[sflag:s0] =	ssyncadd.s32 $0xFFFFC400  }
0x1f: {  	_ =	swait.ge [sflag:s3], $0x3C00  }
0x20: {  	[sflag:s3] =	ssyncset.done $0x0  }
0x21: {  	[sflag:s3] =	ssyncadd.s32 $0xFFFFC400  }
0x22: {  	[spmem:s2] =	stream.indirect.scatter.add.f32 [tilespmem:s25], [sflag:$0x9], $0x80, s14, s19, $0xb8;
	[tilespmem:$0x1F600] =	vst v63  }
0x23: {  	_ =	swait.ge [sflag:s8], $0x3C00  }
0x24: {  	[sflag:s8] =	ssyncset.done $0x0  }
0x25: {  	[sflag:s8] =	ssyncadd.s32 $0xFFFFC400  }
0x26: {  	[bflag:$0x0] =	sbarrier.arrive $0xFFFF  }
0x27: {  	s21 =	rddreg [dreg:$0x4]  }
0x28: {  	s15 =	rddreg [dreg:$0x7]  }
0x29: {  	s26 =	rddreg [dreg:$0x9]  }
0x2a: {  	[hbm:s15], [sflag:s21] =	dma.local [spmem:s26], $0x2780  }
0x2b: {  	s15 =	simm.s32 $0xA  }
0x2c: {  	_ =	swait.ge [sflag:s15], $0x2780  }
0x2d: {  	s21 =	rddreg [dreg:$0xa]  }
0x2e: {  	[sflag:s15] =	ssyncset.done $0x0;
	s15 =	rddreg [dreg:$0x8];
	s21 =	sadd.s32 $0x1, s21  }
0x2f: {  	p0 =	sne.s32 s21, s15  }
.Ltmp1:
0x30: {  	_ = 	snop;
	(pc) =	sbr.rel @!p0 .LBB2_5-.Ltmp1, $3  }
0x31: {  	_ =	sdelay $0x1  }
0x32: {  	[dreg:$0xa] =	wrdreg s21;
	s15 =	simm.s32 $0xA  }
0x33: {  	s21 =	rddreg [dreg:$0x4];
	[sflag:s15] =	ssyncadd.s32 $0xFFFFD880  }
.LBB2_1:
0x34: {  	s15 =	rddreg [dreg:$0x1]  }
0x35: {  	[spmem:s26], [sflag:s21] =	dma.local [hbm:s15], $0x2780  }
0x36: {  	s21 =	simm.s32 $0xA  }
0x37: {  	_ =	swait.ge [sflag:s21], $0x2780  }
0x38: {  	[sflag:s21] =	ssyncset.done $0x0  }
0x39: {  	[sflag:s21] =	ssyncadd.s32 $0xFFFFD880  }
0x3a: {  	[bflag:$0x0] =	sbarrier.arrive $0xFFFF  }
0x3b: {  	s26 =	rddreg [dreg:$0x5]  }
0x3c: {  	[tilespmem:s4], [sflag:$0x1] =	stream.linear.gather [hbm4b:s26+s4], $0x200, $0x38;
	[tilespmem:$0x1F600] =	vst v63  }
0x3d: {  	s21 =	rddreg [dreg:$0x6]  }
0x3e: {  	[tilespmem:s16], [sflag:$0x2] =	stream.linear.gather [hbm4b:s21+s4], $0x200, $0x38;
	[tilespmem:$0x1F600] =	vst v63  }
0x3f: {  	_ = 	snop  }
0x40: {  	[tilespmem:s17], [sflag:$0x3] =	stream.linear.gather [hbm4b:s9+s4], $0x200, $0x38;
	[tilespmem:$0x1F600] =	vst v63  }
0x41: {  	_ =	swait.ge [sflag:s18], $0x200  }
0x42: {  	[sflag:s18] =	ssyncset.done $0x0  }
0x43: {  	[sflag:s18] =	ssyncadd.s32 $0xFFFFFE00  }
0x44: {  	[tilespmem:s20], [sflag:$0x4] =	stream.indirect.gather [hbm4b:s5+s19], $0x80, s4, s19, $0xb8;
	[tilespmem:$0x1F600] =	vst v63  }
0x45: {  	s15 =	simm.s32 $0x0;
	s26 =	simm.s32 $0x100  }
0x46: {  	[tilespmem:s22], [sflag:$0x5] =	stream.indirect.gather [hbm4b:s5+s19], $0x80, s26, s19, $0xb8;
	[tilespmem:$0x1F600] =	vst v63  }
.LBB2_2:
0x47: {  	_ =	swait.ge [sflag:s23], $0x3C00  }
0x48: {  	p0 =	seq.s32 s15, $0x0;
	[sflag:s23] =	ssyncset.done $0x0  }
0x49: {  	s21 =	simm.s32 @!p0 $0x9;
	[sflag:s23] =	ssyncadd.s32 $0xFFFFC400  }
0x4a: {  	_ =	swait.ge @!p0 [sflag:s21], $0x3C00  }
0x4b: {  	[sflag:s21] =	ssyncset.done @!p0 $0x0  }
0x4c: {  	[sflag:s21] =	ssyncadd.s32 @!p0 $0xFFFFC400  }
0x4d: {  	_ =	swait.ge [sflag:s24], $0x200  }
0x4e: {  	[sflag:s24] =	ssyncset.done $0x0  }
0x4f: {  	[sflag:s24] =	ssyncadd.s32 $0xFFFFFE00  }
0x50: {  	[tilespmem:s25], [sflag:$0x6] =	stream.indirect.gather [hbm4b:s5+s19], $0x80, s16, s19, $0xb8;
	[tilespmem:$0x1F600] =	vst v63  }
0x51: {  	s26 =	sadd.s32 s15, s9  }
0x52: {  	[tilespmem:s17], [sflag:$0x3] =	stream.linear.gather [hbm4b:s26+s4], $0x200, $0x38;
	[tilespmem:$0x1F600] =	vst v63  }
0x53: {  	s26 =	simm.s32 $0x80  }
0x54: {  	[spmem:s2] =	stream.indirect.scatter.add.f32 [tilespmem:s20], [sflag:$0x7], $0x80, s26, s19, $0xb8;
	[tilespmem:$0x1F600] =	vst v63  }
0x55: {  	_ =	swait.ge [sflag:s28], $0x3C00  }
0x56: {  	[sflag:s28] =	ssyncset.done $0x0  }
0x57: {  	[sflag:s28] =	ssyncadd.s32 $0xFFFFC400  }
0x58: {  	_ =	swait.ge [sflag:s29], $0x3C00  }
0x59: {  	[sflag:s29] =	ssyncset.done $0x0  }
0x5a: {  	[sflag:s29] =	ssyncadd.s32 $0xFFFFC400  }
0x5b: {  	[tilespmem:s20], [sflag:$0x4] =	stream.indirect.gather [hbm4b:s5+s19], $0x80, s30, s19, $0xb8;
	[tilespmem:$0x1F600] =	vst v63  }
0x5c: {  	_ = 	snop  }
0x5d: {  	[spmem:s2] =	stream.indirect.scatter.add.f32 [tilespmem:s22], [sflag:$0x8], $0x80, s31, s19, $0xb8;
	[tilespmem:$0x1F600] =	vst v63  }
0x5e: {  	_ =	swait.ge [sflag:s0], $0x3C00  }
0x5f: {  	[sflag:s0] =	ssyncset.done $0x0  }
0x60: {  	[sflag:s0] =	ssyncadd.s32 $0xFFFFC400  }
0x61: {  	_ =	swait.ge [sflag:s3], $0x3C00  }
0x62: {  	[sflag:s3] =	ssyncset.done $0x0  }
0x63: {  	[sflag:s3] =	ssyncadd.s32 $0xFFFFC400  }
0x64: {  	_ =	swait.ge [sflag:s1], $0x200  }
0x65: {  	[sflag:s1] =	ssyncset.done $0x0  }
0x66: {  	p0 =	seq.s32 s15, $0x1440;
	[sflag:s1] =	ssyncadd.s32 $0xFFFFFE00  }
0x67: {  	[tilespmem:s22], [sflag:$0x5] =	stream.indirect.gather [hbm4b:s5+s19], $0x80, s17, s19, $0xb8;
	[tilespmem:$0x1F600] =	vst v63  }
0x68: {  	s21 =	sadd.s32 @!p0 s15, s13;
	s26 =	simm.s32 @!p0 $0x0  }
0x69: {  	[tilespmem:s26], [sflag:$0x1] =	stream.linear.gather @!p0 [hbm4b:s21+s26], $0x200, $0x38;
	[tilespmem:$0x1F600] =	vst v63  }
0x6a: {  	_ = 	snop  }
0x6b: {  	[spmem:s2] =	stream.indirect.scatter.add.f32 [tilespmem:s25], [sflag:$0x9], $0x80, s7, s19, $0xb8;
	[tilespmem:$0x1F600] =	vst v63  }
0x6c: {  	_ =	swait.ge [sflag:s23], $0x3C00  }
0x6d: {  	[sflag:s23] =	ssyncset.done $0x0  }
0x6e: {  	[sflag:s23] =	ssyncadd.s32 $0xFFFFC400  }
0x6f: {  	_ =	swait.ge [sflag:s8], $0x3C00  }
0x70: {  	[sflag:s8] =	ssyncset.done $0x0  }
0x71: {  	[sflag:s8] =	ssyncadd.s32 $0xFFFFC400  }
0x72: {  	[tilespmem:s25], [sflag:$0x6] =	stream.indirect.gather [hbm4b:s5+s19], $0x80, s10, s19, $0xb8;
	[tilespmem:$0x1F600] =	vst v63  }
0x73: {  	_ = 	snop  }
0x74: {  	[spmem:s2] =	stream.indirect.scatter.add.f32 [tilespmem:s20], [sflag:$0x7], $0x80, s11, s19, $0xb8;
	[tilespmem:$0x1F600] =	vst v63  }
0x75: {  	_ =	swait.ge [sflag:s28], $0x3C00  }
.Ltmp2:
0x76: {  	[sflag:s28] =	ssyncset.done $0x0;
	(pc) =	sbr.rel @p0 .LBB2_4-.Ltmp2, $4  }
0x77: {  	[sflag:s28] =	ssyncadd.s32 $0xFFFFC400  }
0x78: {  	_ =	swait.ge [sflag:s29], $0x3C00  }
0x79: {  	[sflag:s29] =	ssyncset.done $0x0  }
0x7a: {  	[sflag:s29] =	ssyncadd.s32 $0xFFFFC400  }
0x7b: {  	_ =	swait.ge [sflag:s18], $0x200  }
0x7c: {  	[sflag:s18] =	ssyncset.done $0x0  }
0x7d: {  	[sflag:s18] =	ssyncadd.s32 $0xFFFFFE00  }
0x7e: {  	[tilespmem:s20], [sflag:$0x4] =	stream.indirect.gather [hbm4b:s5+s19], $0x80, s4, s19, $0xb8;
	[tilespmem:$0x1F600] =	vst v63  }
0x7f: {  	s21 =	sadd.s32 s15, s12  }
0x80: {  	[tilespmem:s16], [sflag:$0x2] =	stream.linear.gather [hbm4b:s21+s4], $0x200, $0x38;
	[tilespmem:$0x1F600] =	vst v63  }
0x81: {  	_ = 	snop  }
0x82: {  	[spmem:s2] =	stream.indirect.scatter.add.f32 [tilespmem:s22], [sflag:$0x8], $0x80, s6, s19, $0xb8;
	[tilespmem:$0x1F600] =	vst v63  }
0x83: {  	_ =	swait.ge [sflag:s0], $0x3C00  }
0x84: {  	[sflag:s0] =	ssyncset.done $0x0  }
0x85: {  	[sflag:s0] =	ssyncadd.s32 $0xFFFFC400  }
0x86: {  	_ =	swait.ge [sflag:s3], $0x3C00  }
.Ltmp3:
0x87: {  	[sflag:s3] =	ssyncset.done $0x0;
	(pc) =	sbr.rel .LBB2_2-.Ltmp3, $4  }
0x88: {  	s26 =	simm.s32 $0x100;
	[sflag:s3] =	ssyncadd.s32 $0xFFFFC400  }
0x89: {  	[tilespmem:s22], [sflag:$0x5] =	stream.indirect.gather [hbm4b:s5+s19], $0x80, s26, s19, $0xb8;
	[tilespmem:$0x1F600] =	vst v63  }
0x8a: {  	s15 =	sadd.s32 $0xC0, s15  }
0x8b: {  	[spmem:s2] =	stream.indirect.scatter.add.f32 [tilespmem:s25], [sflag:$0x9], $0x80, s14, s19, $0xb8;
	[tilespmem:$0x1F600] =	vst v63  }
.LBB2_5:
0x8c: {  	_ =	sfence.sel $0x180000  }
0x8d: {  	[bflag:$0x0] =	sbarrier.arrive $0xFFFF  }
0x8e: {  	_ =	strace $0x90000047  }
0x8f: {  	s0 =	stileid.u32;
	[bflag:$0x2] =	sbarrier.arrive $0xFFFF  }
0x90: {  	p0 =	sne.s32 s0, $0x0;
	s0 =	rddreg [dreg:$0x3]  }
0x91: {  	s0 =	sadd.s32 @!p0 $0x100000, s0  }
0x92: {  	[sflag:s0] =	ssyncadd.tile.s32 @!p0 $0x1;
	_ =	shalt  }
.Lfunc_end2:
_tile_overlayer_lowered:
.L_overlay_start_2:
0x93: {  	(tag) =	ssettag $0x2  }
0x94: {  	s0 =	rddreg [dreg:$0x0];
	s2 =	stileid.u32  }
0x95: {  	s1 =	rddreg [dreg:$0x1];
	p0 =	sne.s32 s2, $0x0  }
0x96: {  	s3 =	rddreg [dreg:$0x2];
	[bflag:$0x3] =	sbarrier.arrive $0xFFFF;
	s2 =	simm.s32 @!p0 $0x1C0A  }
0x97: {  	[timem:s3], [sflag:s2] =	dma.local @!p0 [hbm:s0], s1  }
0x98: {  	s0 =	simm.s32 @!p0 $0xA  }
0x99: {  	_ =	swait.ge @!p0 [sflag:s0], s1  }
0x9a: {  	s1 =	ssub.s32 @!p0 $0x0, s1;
	[sflag:s0] =	ssyncset.done @!p0 $0x0  }
0x9b: {  	[sflag:s0] =	ssyncadd.s32 @!p0 s1  }
0x9c: {  	[bflag:$0x3] =	sbarrier.arrive $0xFFFF  }
0x9d: {  	_ =	shalt  }

</sc_bundles>
